<compile_context>
chip_gen: v7x
topology: tpu7x:2x2x1
jax: 0.10.2.dev20260603
libtpu: 0.0.44.dev20260713+nightly
codegen_flags: <defaults>
</compile_context>

<pallas_src>
import functools

import jax
import jax.numpy as jnp
from jax import lax
from jax.experimental import pallas as pl
from jax.experimental.pallas import tpu as pltpu
from jax.experimental.pallas import tpu_sc as plsc

B = 8; NPC = 2048; D = 6; CIN = 128; COUT = 128; CDELTA = 32; K = 16
RATIO = 0.5; RAD = 2.0; MAXN = 64
M = int(NPC * RATIO)
CMID = CIN + CDELTA
T = B * M


def _fps_kernel(pos6_ref, idx_ref):
    col = jax.lax.broadcasted_iota(jnp.int32, (B, NPC), 1)
    colm = jax.lax.broadcasted_iota(jnp.int32, (B, M), 1)

    def body(i, carry):
        sel, mind, idxacc = carry
        maskc = col == sel
        a = []
        for d in range(D):
            pd = pos6_ref[d]
            lastd = jnp.sum(jnp.where(maskc, pd, 0.0), axis=1, keepdims=True)
            ad = pd - lastd
            a.append(ad * ad)
        dsum = ((a[0] + a[4]) + a[2]) + ((a[1] + a[5]) + a[3])
        mind = jnp.minimum(mind, dsum)
        mx = jnp.max(mind, axis=1, keepdims=True)
        cand = jnp.where(mind == mx, col, NPC)
        sel = jnp.min(cand, axis=1, keepdims=True)
        idxacc = jnp.where(colm == i, sel, idxacc)
        return sel, mind, idxacc

    sel0 = jnp.zeros((B, 1), jnp.int32)
    mind0 = jnp.full((B, NPC), jnp.inf, dtype=jnp.float32)
    idx0 = jnp.zeros((B, M), jnp.int32)
    _, _, idxacc = jax.lax.fori_loop(1, M, body, (sel0, mind0, idx0))
    idx_ref[...] = idxacc


def _fps_pallas(posr):
    pos6 = jnp.transpose(posr, (2, 0, 1))
    return pl.pallas_call(
        _fps_kernel,
        out_shape=jax.ShapeDtypeStruct((B, M), jnp.int32),
    )(pos6)


QB = 128


def _nbr_kernel(pos6p_ref, posp_ref, idxq_ref, nbr_ref, poss_ref):
    pc = pos6p_ref[0]
    idxq = idxq_ref[0, 0]
    col = jax.lax.broadcasted_iota(jnp.int32, (QB, NPC), 1)
    sel_mask = col == idxq
    lane8 = jax.lax.broadcasted_iota(jnp.int32, (1, 8), 1)
    pos_s = jnp.zeros((QB, 8), jnp.float32)
    ps_cols = []
    for d in range(D):
        psd = jnp.sum(jnp.where(sel_mask, pc[d:d + 1, :], 0.0),
                      axis=1, keepdims=True)
        ps_cols.append(psd)
        pos_s = pos_s + psd * (lane8 == d).astype(jnp.float32)
    a = [ps_cols[d] * ps_cols[d] for d in range(D)]
    A = ((a[0] + a[4]) + a[2]) + ((a[1] + a[5]) + a[3])
    bsq = [pc[d:d + 1, :] * pc[d:d + 1, :] for d in range(D)]
    Bv = ((bsq[0] + bsq[4]) + bsq[2]) + ((bsq[1] + bsq[5]) + bsq[3])
    pn = posp_ref[0]
    C = jax.lax.dot_general(pos_s, pn, (((1,), (1,)), ((), ())),
                            preferred_element_type=jnp.float32)
    d2 = (A + Bv) - 2.0 * C
    work = d2
    first = None
    for s in range(K):
        mn = jnp.min(work, axis=1, keepdims=True)
        cand = jnp.where(work == mn, col, NPC)
        sidx = jnp.min(cand, axis=1, keepdims=True)
        if s == 0:
            first = sidx
            sel = sidx
        else:
            sel = jnp.where(mn <= RAD * RAD, sidx, first)
        nbr_ref[0, 0, :, s:s + 1] = sel
        work = jnp.where(col == sidx, jnp.inf, work)
    poss_ref[0, 0] = pos_s


def _nbr_pallas(posr, idx):
    pos6p = jnp.pad(jnp.transpose(posr, (0, 2, 1)), ((0, 0), (0, 2), (0, 0)))
    posp = jnp.pad(posr, ((0, 0), (0, 0), (0, 2)))
    idx4 = idx.reshape(B, M // QB, QB, 1)
    nbr, poss = pl.pallas_call(
        _nbr_kernel,
        grid=(B, M // QB),
        in_specs=[
            pl.BlockSpec((1, 8, NPC), lambda b, q: (b, 0, 0)),
            pl.BlockSpec((1, NPC, 8), lambda b, q: (b, 0, 0)),
            pl.BlockSpec((1, 1, QB, 1), lambda b, q: (b, q, 0, 0)),
        ],
        out_specs=[
            pl.BlockSpec((1, 1, QB, K), lambda b, q: (b, q, 0, 0)),
            pl.BlockSpec((1, 1, QB, 8), lambda b, q: (b, q, 0, 0)),
        ],
        out_shape=[
            jax.ShapeDtypeStruct((B, M // QB, QB, K), jnp.int32),
            jax.ShapeDtypeStruct((B, M // QB, QB, 8), jnp.float32),
        ],
    )(pos6p, posp, idx4)
    return nbr.reshape(B, M, K), poss.reshape(B, M, 8)


GCOLS = 144
NW = 32
GCH = 128


def _sc_gather(comb, idxf):
    nrows = idxf.shape[0]
    rpw = nrows // NW
    nch = rpw // GCH
    mesh = plsc.VectorSubcoreMesh(core_axis_name="c", subcore_axis_name="s")

    @functools.partial(
        pl.kernel, mesh=mesh,
        compiler_params=pltpu.CompilerParams(use_tc_tiling_on_sc=False),
        out_type=jax.ShapeDtypeStruct((nrows, GCOLS), jnp.float32),
        scratch_types=[
            pltpu.VMEM((GCH,), jnp.int32),
            pltpu.VMEM((GCH,), jnp.int32),
            pltpu.VMEM((GCH, GCOLS), jnp.float32),
            pltpu.VMEM((GCH, GCOLS), jnp.float32),
            pltpu.SemaphoreType.DMA,
            pltpu.SemaphoreType.DMA,
        ],
    )
    def k(comb_hbm, idx_hbm, out_hbm, idx_v0, idx_v1, rows_v0, rows_v1,
          sem0, sem1):
        wid = lax.axis_index("s") * 2 + lax.axis_index("c")
        base = wid * rpw

        def body(j, carry):
            off0 = base + (2 * j) * GCH
            off1 = base + (2 * j + 1) * GCH
            pltpu.sync_copy(idx_hbm.at[pl.ds(off0, GCH)], idx_v0)
            pltpu.sync_copy(idx_hbm.at[pl.ds(off1, GCH)], idx_v1)
            cp0 = pltpu.async_copy(comb_hbm.at[idx_v0], rows_v0, sem0)
            cp1 = pltpu.async_copy(comb_hbm.at[idx_v1], rows_v1, sem1)
            cp0.wait()
            pltpu.sync_copy(rows_v0, out_hbm.at[pl.ds(off0, GCH)])
            cp1.wait()
            pltpu.sync_copy(rows_v1, out_hbm.at[pl.ds(off1, GCH)])
            return carry

        lax.fori_loop(0, nch // 2, body, 0)

    return k(comb, idxf)


QD = 256


def _dense_kernel(g_ref, ps_ref, w1_ref, b1_ref, w2_ref, b2_ref, w3e_ref,
                  b3_ref, wbd1_ref, cb1_ref, wbd2_ref, cb2_ref, dwt_ref,
                  db_ref, wl_ref, bl_ref, out_ref):
    R = QD * K

    def dot(a, b):
        return jax.lax.dot_general(a, b, (((1,), (0,)), ((), ())),
                                   preferred_element_type=jnp.float32)

    def elu(v):
        return jnp.where(v > 0, v, jnp.exp(jnp.minimum(v, 0.0)) - 1.0)

    g = g_ref[...]
    gx = g[:, :CIN]
    gp = g[:, CIN:CIN + 8]
    ps = ps_ref[...]
    ps_r = jnp.broadcast_to(ps[:, None, :], (QD, K, 8)).reshape(R, 8)
    pr = gp - ps_r
    h1 = elu(dot(pr, w1_ref[...]) + b1_ref[...])
    delta = elu(dot(h1, w2_ref[...]) + b2_ref[...])
    rowk = jax.lax.broadcasted_iota(jnp.int32, (R, 8), 0) % K
    prb = jnp.concatenate(
        [jnp.where(rowk == k, pr, 0.0) for k in range(K)], axis=1)
    t1g = dot(prb, w3e_ref[...])
    t1 = elu(jnp.sum(t1g.reshape(QD, K, K * K), axis=1) + b3_ref[...])
    t2 = elu(dot(t1, wbd1_ref[...]) + cb1_ref[...])
    trf = dot(t2, wbd2_ref[...]) + cb2_ref[...]
    trf_rep = jnp.broadcast_to(trf[:, None, :], (QD, K, K * K)).reshape(R, K * K)
    lane256 = jax.lax.broadcasted_iota(jnp.int32, (R, K * K), 1)
    row256 = jax.lax.broadcasted_iota(jnp.int32, (R, K * K), 0)
    trb = jnp.where((lane256 // K) == (row256 % K), trf_rep, 0.0)
    wkc = dot(trb, dwt_ref[...])
    pd = delta * wkc[:, :CDELTA]
    px = gx * wkc[:, CDELTA:CMID]
    featd = jnp.sum(pd.reshape(QD, K, CDELTA), axis=1)
    featx = jnp.sum(px.reshape(QD, K, CIN), axis=1)
    bias2 = dot(db_ref[...], wl_ref[...]) + bl_ref[...]
    out_ref[...] = (dot(featd, wl_ref[:CDELTA, :])
                    + dot(featx, wl_ref[CDELTA:, :]) + bias2)


def _dense_pallas(g_rows, poss8, w1, b1, w2, b2, w3, b3, cw1, cb1, cw2, cb2,
                  dw, db, wl, bl):
    w1p = jnp.pad(w1, ((0, 2), (0, 0)))
    w3r = w3.reshape(K, D, K * K)
    w3e = jnp.pad(w3r, ((0, 0), (0, 2), (0, 0))).reshape(128, K * K)
    wr1 = cw1.reshape(K, K, K)
    wr2 = cw2.reshape(K, K, K)
    eye = jnp.eye(K, dtype=jnp.float32)
    wbd1 = jnp.einsum('imk,ij->ikjm', wr1, eye).reshape(K * K, K * K)
    wbd2 = jnp.einsum('imk,ij->ikjm', wr2, eye).reshape(K * K, K * K)
    dwt = jnp.tile(jnp.transpose(dw), (K, 1))
    grid = (T // QD,)
    full = lambda r, c: pl.BlockSpec((r, c), lambda i: (0, 0))
    return pl.pallas_call(
        _dense_kernel,
        grid=grid,
        in_specs=[
            pl.BlockSpec((QD * K, GCOLS), lambda i: (i, 0)),
            pl.BlockSpec((QD, 8), lambda i: (i, 0)),
            full(8, CDELTA), full(1, CDELTA),
            full(CDELTA, CDELTA), full(1, CDELTA),
            full(128, K * K), full(1, K * K),
            full(K * K, K * K), full(1, K * K),
            full(K * K, K * K), full(1, K * K),
            full(K * K, CMID),
            full(1, CMID), full(CMID, COUT), full(1, COUT),
        ],
        out_specs=pl.BlockSpec((QD, COUT), lambda i: (i, 0)),
        out_shape=jax.ShapeDtypeStruct((T, COUT), jnp.float32),
    )(g_rows, poss8, w1p, b1.reshape(1, -1), w2, b2.reshape(1, -1),
      w3e, b3.reshape(1, -1), wbd1, cb1.reshape(1, -1), wbd2,
      cb2.reshape(1, -1), dwt, db.reshape(1, -1), wl, bl.reshape(1, -1))


def kernel(x, pos, batch, w1, b1, w2, b2, w3, b3, cw1, cb1, cw2, cb2, dw, db, wl, bl):
    posr = pos.reshape(B, NPC, D)
    xr = x.reshape(B, NPC, CIN)
    idx = _fps_pallas(posr)
    nbr16, poss8 = _nbr_pallas(posr, idx)
    comb = jnp.concatenate(
        [x, pos, jnp.zeros((B * NPC, GCOLS - CIN - D), jnp.float32)], axis=1)
    nbrg = (nbr16 + (jnp.arange(B, dtype=jnp.int32) * NPC)[:, None, None])
    g_rows = _sc_gather(comb, nbrg.reshape(T * K))
    out = _dense_pallas(g_rows, poss8.reshape(T, 8), w1, b1, w2, b2, w3, b3,
                        cw1, cb1, cw2, cb2, dw, db, wl, bl)
    pos_out = poss8[..., :D].reshape(T, D)
    batch_out = jnp.repeat(jnp.arange(B, dtype=batch.dtype), M)
    return out, pos_out, batch_out

# --- scband reference (transcript-rebuilt; emitter-appended) ---
"""Pipeline reference for scband-samodule-pointcnn-59923383714428 (READ-ONLY COPY).

The authoritative reference and input builder live on the scoring server;
editing this copy changes nothing except your own understanding.
"""

import jax, jax.numpy as jnp
import numpy as np

B = 8; NPC = 2048; D = 6; CIN = 128; COUT = 128; CDELTA = 32; K = 16
RATIO = 0.5; RAD = 2.0; MAXN = 64
M = int(NPC * RATIO)
CMID = CIN + CDELTA


def setup_inputs(seed: int = 0):
    key = jax.random.key(seed)
    ks = jax.random.split(key, 16)
    N = B * NPC
    return {
        "x": jax.random.normal(ks[0], (N, CIN), dtype=jnp.float32),
        "pos": jax.random.normal(ks[1], (N, D), dtype=jnp.float32),
        "batch": jnp.repeat(jnp.arange(B, dtype=jnp.int64), NPC),
        "w1": jax.random.normal(ks[2], (D, CDELTA), dtype=jnp.float32) * 0.3,
        "b1": jnp.zeros((CDELTA,), jnp.float32),
        "w2": jax.random.normal(ks[3], (CDELTA, CDELTA), dtype=jnp.float32) * 0.15,
        "b2": jnp.zeros((CDELTA,), jnp.float32),
        "w3": jax.random.normal(ks[4], (K * D, K * K), dtype=jnp.float32) * 0.08,
        "b3": jnp.zeros((K * K,), jnp.float32),
        "cw1": jax.random.normal(ks[5], (K * K, K), dtype=jnp.float32) * 0.15,
        "cb1": jnp.zeros((K * K,), jnp.float32),
        "cw2": jax.random.normal(ks[6], (K * K, K), dtype=jnp.float32) * 0.15,
        "cb2": jnp.zeros((K * K,), jnp.float32),
        "dw": jax.random.normal(ks[7], (CMID, K), dtype=jnp.float32) * 0.15,
        "db": jnp.zeros((CMID,), jnp.float32),
        "wl": jax.random.normal(ks[8], (CMID, COUT), dtype=jnp.float32) * 0.06,
        "bl": jnp.zeros((COUT,), jnp.float32),
    }


def fps_cloud(pos_c):
    # deterministic farthest point sampling starting at point 0
    def body(i, state):
        idx, mind = state
        last = pos_c[idx[i - 1]]
        d = jnp.sum((pos_c - last) ** 2, axis=-1)
        mind = jnp.minimum(mind, d)
        nxt = jnp.argmax(mind).astype(jnp.int32)
        return idx.at[i].set(nxt), mind
    idx0 = jnp.zeros((M,), jnp.int32)
    mind0 = jnp.full((NPC,), jnp.inf, dtype=jnp.float32)
    idx, _ = jax.lax.fori_loop(1, M, body, (idx0, mind0))
    return idx


def grouped_conv1d(t, w, b):
    # t: [T, K, K]; depthwise Conv1d(K, K*K, kernel=K, groups=K)
    wr = w.reshape(K, K, K)  # [in_group, mult, klen]
    return jnp.einsum('tik,imk->tim', t, wr).reshape(t.shape[0], K * K) + b


def reference(x, pos, batch, w1, b1, w2, b2, w3, b3, cw1, cb1, cw2, cb2, dw, db, wl, bl):
    posr = pos.reshape(B, NPC, D)
    xr = x.reshape(B, NPC, CIN)
    # fps(pos, batch, ratio)
    idx = jax.vmap(fps_cloud)(jax.lax.stop_gradient(posr))  # [B, M]
    pos_s = jax.vmap(lambda a, i: a[i])(posr, idx)           # [B, M, D]
    # radius(pos, pos[idx], r, max_num_neighbors=64): 64 nearest within r, self-padded
    d2 = (jnp.sum(pos_s ** 2, -1)[:, :, None] + jnp.sum(posr ** 2, -1)[:, None, :]
          - 2.0 * jnp.einsum('bmd,bnd->bmn', pos_s, posr))   # [B, M, NPC]
    negd, nbr = jax.lax.top_k(-jax.lax.stop_gradient(d2), MAXN)
    valid = (-negd) <= RAD * RAD
    nbr = jnp.where(valid, nbr, nbr[..., :1])
    nbr16 = nbr[..., :K]                                     # XConv kernel_size=16 neighbors
    pos_n = jax.vmap(lambda a, i: a[i])(posr, nbr16)         # [B, M, K, D]
    x_n = jax.vmap(lambda a, i: a[i])(xr, nbr16)             # [B, M, K, CIN]
    pos_rel = pos_n - pos_s[:, :, None, :]
    T = B * M
    # mlp1 (BN in eval mode = identity)
    h = jax.nn.elu(pos_rel.reshape(T * K, D) @ w1 + b1)
    h = jax.nn.elu(h @ w2 + b2)
    delta = h.reshape(T, K, CDELTA)
    xg = x_n.reshape(T, K, CIN)
    x_star = jnp.concatenate([delta, xg], axis=-1)           # [T, K, CMID]
    x_star = jnp.transpose(x_star, (0, 2, 1))                # [T, CMID, K]
    # mlp2 -> K x K transform matrix
    t = jax.nn.elu(pos_rel.reshape(T, K * D) @ w3 + b3)
    t = t.reshape(T, K, K)
    t = jax.nn.elu(grouped_conv1d(t, cw1, cb1)).reshape(T, K, K)
    trans = grouped_conv1d(t, cw2, cb2).reshape(T, K, K)
    x_t = jnp.matmul(x_star, trans)                          # [T, CMID, K]
    # final depthwise conv (depth_multiplier=1) + linear
    feat = jnp.einsum('tck,ck->tc', x_t, dw) + db
    out = feat @ wl + bl                                     # [T, COUT]
    gidx = (idx.astype(jnp.int64) + (jnp.arange(B, dtype=jnp.int64) * NPC)[:, None]).reshape(-1)
    pos_out = pos[gidx]
    batch_out = batch[gidx]
    return out, pos_out, batch_out

if __name__ == "__main__":
    import jax
    _d = setup_inputs()
    print(jax.jit(kernel)(*tuple(_d.values())))

</pallas_src>

<mosaic_0001>
#map = affine_map<(d0, d1) -> (0, 0)>
#map1 = affine_map<(d0, d1) -> (0)>
module attributes {stable_mosaic.version = 14 : i64} {
  func.func @k(%arg0: i32, %arg1: i32, %arg2: memref<16384x144xf32, #tpu.memory_space<hbm>>, %arg3: memref<131072xi32, #tpu.memory_space<hbm>>, %arg4: memref<131072x144xf32, #tpu.memory_space<hbm>>, %arg5: memref<128xi32, #tpu.memory_space<vmem>>, %arg6: memref<128xi32, #tpu.memory_space<vmem>>, %arg7: memref<128x144xf32, #tpu.memory_space<vmem>>, %arg8: memref<128x144xf32, #tpu.memory_space<vmem>>, %arg9: memref<!tpu.dma_semaphore, #tpu.memory_space<semaphore_mem>>, %arg10: memref<!tpu.dma_semaphore, #tpu.memory_space<semaphore_mem>>) attributes {dimension_semantics = [#tpu.dimension_semantics<core_parallel>, #tpu.dimension_semantics<subcore_parallel>], iteration_bounds = array<i64: 2, 16>, scalar_prefetch = 0 : i64, scratch_operands = 6 : i64, tpu.core_type = #tpu.core_type<sc_vector_subcore>, window_params = [{transform_indices = #map}, {transform_indices = #map1}, {transform_indices = #map}]} {
    %mul3A = arith.constant 2 : i32
    %mul3A_0 = arith.muli %arg1, %mul3A : i32
    %add3A = arith.addi %mul3A_0, %arg0 : i32
    %mul3A_1 = arith.constant 4096 : i32
    %mul3A_2 = arith.muli %add3A, %mul3A_1 : i32
    %scan3A = arith.constant 0 : i32
    %scan3A_3 = arith.constant 0 : i32
    %scan3A_4 = arith.constant 16 : i32
    %scan3A_5 = arith.addi %scan3A_3, %scan3A_4 : i32
    %scan3A_6 = arith.constant 1 : i32
    scf.for %scan3A_8 = %scan3A_3 to %scan3A_5 step %scan3A_6  : i32 {
      %mul3A_9 = arith.constant 2 : i32
      %mul3A_10 = arith.muli %mul3A_9, %scan3A_8 : i32
      %mul3A_11 = arith.constant 128 : i32
      %mul3A_12 = arith.muli %mul3A_10, %mul3A_11 : i32
      %add3A_13 = arith.addi %mul3A_2, %mul3A_12 : i32
      %mul3A_14 = arith.constant 2 : i32
      %mul3A_15 = arith.muli %mul3A_14, %scan3A_8 : i32
      %add3A_16 = arith.constant 1 : i32
      %add3A_17 = arith.addi %mul3A_15, %add3A_16 : i32
      %mul3A_18 = arith.constant 128 : i32
      %mul3A_19 = arith.muli %add3A_17, %mul3A_18 : i32
      %add3A_20 = arith.addi %mul3A_2, %mul3A_19 : i32
      "tpu.region"() ({
        %run_scoped3A = tpu.sem_alloc : memref<!tpu.dma_semaphore, #tpu.memory_space<semaphore_mem>>
        %dma_start3A_31 = tpu.memref_slice %arg3[%add3A_13] : memref<131072xi32, #tpu.memory_space<hbm>> -> memref<128xi32, #tpu.memory_space<hbm>>
        %dma_start3A_32 = tpu.memref_slice %arg3[%add3A_13] : memref<131072xi32, #tpu.memory_space<hbm>> -> memref<128xi32, #tpu.memory_space<hbm>>
        tpu.enqueue_dma source(%dma_start3A_32 : memref<128xi32, #tpu.memory_space<hbm>>) target(%arg5 : memref<128xi32, #tpu.memory_space<vmem>>) target_semaphore(%run_scoped3A : memref<!tpu.dma_semaphore, #tpu.memory_space<semaphore_mem>>)
        %dma_wait3A_33 = tpu.memref_slice %arg3[%add3A_13] : memref<131072xi32, #tpu.memory_space<hbm>> -> memref<128xi32, #tpu.memory_space<hbm>>
        %dma_wait3A_34 = tpu.memref_slice %arg3[%add3A_13] : memref<131072xi32, #tpu.memory_space<hbm>> -> memref<128xi32, #tpu.memory_space<hbm>>
        tpu.wait_dma2 semaphore(%run_scoped3A : memref<!tpu.dma_semaphore, #tpu.memory_space<semaphore_mem>>) src(%dma_wait3A_34 : memref<128xi32, #tpu.memory_space<hbm>>) dst(%arg5 : memref<128xi32, #tpu.memory_space<vmem>>)
        tpu.yield
      }) : () -> ()
      "tpu.region"() ({
        %run_scoped3A = tpu.sem_alloc : memref<!tpu.dma_semaphore, #tpu.memory_space<semaphore_mem>>
        %dma_start3A_31 = tpu.memref_slice %arg3[%add3A_20] : memref<131072xi32, #tpu.memory_space<hbm>> -> memref<128xi32, #tpu.memory_space<hbm>>
        %dma_start3A_32 = tpu.memref_slice %arg3[%add3A_20] : memref<131072xi32, #tpu.memory_space<hbm>> -> memref<128xi32, #tpu.memory_space<hbm>>
        tpu.enqueue_dma source(%dma_start3A_32 : memref<128xi32, #tpu.memory_space<hbm>>) target(%arg6 : memref<128xi32, #tpu.memory_space<vmem>>) target_semaphore(%run_scoped3A : memref<!tpu.dma_semaphore, #tpu.memory_space<semaphore_mem>>)
        %dma_wait3A_33 = tpu.memref_slice %arg3[%add3A_20] : memref<131072xi32, #tpu.memory_space<hbm>> -> memref<128xi32, #tpu.memory_space<hbm>>
        %dma_wait3A_34 = tpu.memref_slice %arg3[%add3A_20] : memref<131072xi32, #tpu.memory_space<hbm>> -> memref<128xi32, #tpu.memory_space<hbm>>
        tpu.wait_dma2 semaphore(%run_scoped3A : memref<!tpu.dma_semaphore, #tpu.memory_space<semaphore_mem>>) src(%dma_wait3A_34 : memref<128xi32, #tpu.memory_space<hbm>>) dst(%arg6 : memref<128xi32, #tpu.memory_space<vmem>>)
        tpu.yield
      }) : () -> ()
      %dma_start3A = arith.constant 0 : i32
      %dma_start3A_21 = arith.constant 0 : i32
      %dma_start3A_22 = tpu.memref_slice %arg2[%dma_start3A, %dma_start3A_21] : memref<16384x144xf32, #tpu.memory_space<hbm>> -> memref<16384x144xf32, #tpu.memory_space<hbm>>
      tpu.enqueue_indirect_dma source(%dma_start3A_22 : memref<16384x144xf32, #tpu.memory_space<hbm>>) target(%arg7 : memref<128x144xf32, #tpu.memory_space<vmem>>) offsets(%arg5 : memref<128xi32, #tpu.memory_space<vmem>>) semaphore(%arg9 : memref<!tpu.dma_semaphore, #tpu.memory_space<semaphore_mem>>)
      %dma_start3A_23 = arith.constant 0 : i32
      %dma_start3A_24 = arith.constant 0 : i32
      %dma_start3A_25 = tpu.memref_slice %arg2[%dma_start3A_23, %dma_start3A_24] : memref<16384x144xf32, #tpu.memory_space<hbm>> -> memref<16384x144xf32, #tpu.memory_space<hbm>>
      tpu.enqueue_indirect_dma source(%dma_start3A_25 : memref<16384x144xf32, #tpu.memory_space<hbm>>) target(%arg8 : memref<128x144xf32, #tpu.memory_space<vmem>>) offsets(%arg6 : memref<128xi32, #tpu.memory_space<vmem>>) semaphore(%arg10 : memref<!tpu.dma_semaphore, #tpu.memory_space<semaphore_mem>>)
      %dma_wait3A = arith.constant 0 : i32
      %dma_wait3A_26 = arith.constant 0 : i32
      %dma_wait3A_27 = tpu.memref_slice %arg2[%dma_wait3A, %dma_wait3A_26] : memref<16384x144xf32, #tpu.memory_space<hbm>> -> memref<16384x144xf32, #tpu.memory_space<hbm>>
      tpu.wait_indirect_dma semaphore(%arg9 : memref<!tpu.dma_semaphore, #tpu.memory_space<semaphore_mem>>) src(%dma_wait3A_27 : memref<16384x144xf32, #tpu.memory_space<hbm>>) dst(%arg7 : memref<128x144xf32, #tpu.memory_space<vmem>>)
      "tpu.region"() ({
        %run_scoped3A = tpu.sem_alloc : memref<!tpu.dma_semaphore, #tpu.memory_space<semaphore_mem>>
        %dma_start3A_31 = arith.constant 0 : i32
        %dma_start3A_32 = tpu.memref_slice %arg4[%add3A_13, %dma_start3A_31] : memref<131072x144xf32, #tpu.memory_space<hbm>> -> memref<128x144xf32, #tpu.memory_space<hbm>>
        %dma_start3A_33 = arith.constant 0 : i32
        %dma_start3A_34 = tpu.memref_slice %arg4[%add3A_13, %dma_start3A_33] : memref<131072x144xf32, #tpu.memory_space<hbm>> -> memref<128x144xf32, #tpu.memory_space<hbm>>
        tpu.enqueue_dma source(%arg7 : memref<128x144xf32, #tpu.memory_space<vmem>>) target(%dma_start3A_34 : memref<128x144xf32, #tpu.memory_space<hbm>>) target_semaphore(%run_scoped3A : memref<!tpu.dma_semaphore, #tpu.memory_space<semaphore_mem>>)
        %dma_wait3A_35 = arith.constant 0 : i32
        %dma_wait3A_36 = tpu.memref_slice %arg4[%add3A_13, %dma_wait3A_35] : memref<131072x144xf32, #tpu.memory_space<hbm>> -> memref<128x144xf32, #tpu.memory_space<hbm>>
        %dma_wait3A_37 = arith.constant 0 : i32
        %dma_wait3A_38 = tpu.memref_slice %arg4[%add3A_13, %dma_wait3A_37] : memref<131072x144xf32, #tpu.memory_space<hbm>> -> memref<128x144xf32, #tpu.memory_space<hbm>>
        tpu.wait_dma2 semaphore(%run_scoped3A : memref<!tpu.dma_semaphore, #tpu.memory_space<semaphore_mem>>) src(%arg7 : memref<128x144xf32, #tpu.memory_space<vmem>>) dst(%dma_wait3A_38 : memref<128x144xf32, #tpu.memory_space<hbm>>)
        tpu.yield
      }) : () -> ()
      %dma_wait3A_28 = arith.constant 0 : i32
      %dma_wait3A_29 = arith.constant 0 : i32
      %dma_wait3A_30 = tpu.memref_slice %arg2[%dma_wait3A_28, %dma_wait3A_29] : memref<16384x144xf32, #tpu.memory_space<hbm>> -> memref<16384x144xf32, #tpu.memory_space<hbm>>
      tpu.wait_indirect_dma semaphore(%arg10 : memref<!tpu.dma_semaphore, #tpu.memory_space<semaphore_mem>>) src(%dma_wait3A_30 : memref<16384x144xf32, #tpu.memory_space<hbm>>) dst(%arg8 : memref<128x144xf32, #tpu.memory_space<vmem>>)
      "tpu.region"() ({
        %run_scoped3A = tpu.sem_alloc : memref<!tpu.dma_semaphore, #tpu.memory_space<semaphore_mem>>
        %dma_start3A_31 = arith.constant 0 : i32
        %dma_start3A_32 = tpu.memref_slice %arg4[%add3A_20, %dma_start3A_31] : memref<131072x144xf32, #tpu.memory_space<hbm>> -> memref<128x144xf32, #tpu.memory_space<hbm>>
        %dma_start3A_33 = arith.constant 0 : i32
        %dma_start3A_34 = tpu.memref_slice %arg4[%add3A_20, %dma_start3A_33] : memref<131072x144xf32, #tpu.memory_space<hbm>> -> memref<128x144xf32, #tpu.memory_space<hbm>>
        tpu.enqueue_dma source(%arg8 : memref<128x144xf32, #tpu.memory_space<vmem>>) target(%dma_start3A_34 : memref<128x144xf32, #tpu.memory_space<hbm>>) target_semaphore(%run_scoped3A : memref<!tpu.dma_semaphore, #tpu.memory_space<semaphore_mem>>)
        %dma_wait3A_35 = arith.constant 0 : i32
        %dma_wait3A_36 = tpu.memref_slice %arg4[%add3A_20, %dma_wait3A_35] : memref<131072x144xf32, #tpu.memory_space<hbm>> -> memref<128x144xf32, #tpu.memory_space<hbm>>
        %dma_wait3A_37 = arith.constant 0 : i32
        %dma_wait3A_38 = tpu.memref_slice %arg4[%add3A_20, %dma_wait3A_37] : memref<131072x144xf32, #tpu.memory_space<hbm>> -> memref<128x144xf32, #tpu.memory_space<hbm>>
        tpu.wait_dma2 semaphore(%run_scoped3A : memref<!tpu.dma_semaphore, #tpu.memory_space<semaphore_mem>>) src(%arg8 : memref<128x144xf32, #tpu.memory_space<vmem>>) dst(%dma_wait3A_38 : memref<128x144xf32, #tpu.memory_space<hbm>>)
        tpu.yield
      }) : () -> ()
    }
    %scan3A_7 = arith.constant 16 : i32
    return
  }
}

module attributes {stable_mosaic.version = 14 : i64} {
  func.func @_fps_kernel(%arg0: memref<6x8x2048xf32, #tpu.memory_space<vmem>>, %arg1: memref<8x1024xi32, #tpu.memory_space<vmem>>) attributes {dimension_semantics = [], scalar_prefetch = 0 : i64, scratch_operands = 0 : i64, tpu.core_type = #tpu.core_type<tc>} {
    %iota3A = tpu.iota {dimensions = array<i32: 1>} : vector<8x2048xi32>
    %iota3A_0 = tpu.iota {dimensions = array<i32: 1>} : vector<8x1024xi32>
    %broadcast_in_dim3A = arith.constant 0 : i32
    %broadcast_in_dim3A_1 = vector.broadcast %broadcast_in_dim3A : i32 to vector<8x1xi32>
    %broadcast_in_dim3A_2 = arith.constant 0x7F800000 : f32
    %broadcast_in_dim3A_3 = vector.broadcast %broadcast_in_dim3A_2 : f32 to vector<8x2048xf32>
    %broadcast_in_dim3A_4 = arith.constant 0 : i32
    %broadcast_in_dim3A_5 = vector.broadcast %broadcast_in_dim3A_4 : i32 to vector<8x1024xi32>
    %scan3A = arith.constant 1 : i32
    %scan3A_6 = arith.constant 1023 : i32
    %scan3A_7 = arith.addi %scan3A, %scan3A_6 : i32
    %scan3A_8 = arith.constant 1 : i32
    %scan3A_9:3 = scf.for %scan3A_13 = %scan3A to %scan3A_7 step %scan3A_8 iter_args(%scan3A_14 = %broadcast_in_dim3A_1, %scan3A_15 = %broadcast_in_dim3A_3, %scan3A_16 = %broadcast_in_dim3A_5) -> (vector<8x1xi32>, vector<8x2048xf32>, vector<8x1024xi32>)  : i32 {
      %eq3A = vector.broadcast %scan3A_14 : vector<8x1xi32> to vector<8x2048xi32>
      %eq3A_17 = arith.cmpi eq, %iota3A, %eq3A : vector<8x2048xi32>
      %get3A = arith.constant 0 : index
      %get3A_18 = arith.constant 0 : index
      %get3A_19 = arith.constant 0 : index
      %get3A_20 = vector.load %arg0[%get3A, %get3A_18, %get3A_19] : memref<6x8x2048xf32, #tpu.memory_space<vmem>>, vector<1x8x2048xf32>
      %get3A_21 = vector.shape_cast %get3A_20 : vector<1x8x2048xf32> to vector<8x2048xf32>
      %jit3A = arith.constant 0.000000e+00 : f32
      %broadcast_in_dim3A_22 = vector.broadcast %jit3A : f32 to vector<8x2048xf32>
      %select_n3A = arith.select %eq3A_17, %get3A_21, %broadcast_in_dim3A_22 : vector<8x2048xi1>, vector<8x2048xf32>
      %reduce_sum3A = arith.constant dense<0.000000e+00> : vector<8xf32>
      %reduce_sum3A_23 = vector.multi_reduction <add>, %select_n3A, %reduce_sum3A [1] : vector<8x2048xf32> to vector<8xf32>
      %broadcast_in_dim3A_24 = vector.shape_cast %reduce_sum3A_23 : vector<8xf32> to vector<8x1xf32>
      %sub3A = vector.broadcast %broadcast_in_dim3A_24 : vector<8x1xf32> to vector<8x2048xf32>
      %sub3A_25 = arith.subf %get3A_21, %sub3A : vector<8x2048xf32>
      %mul3A = arith.mulf %sub3A_25, %sub3A_25 : vector<8x2048xf32>
      %get3A_26 = arith.constant 1 : index
      %get3A_27 = arith.constant 0 : index
      %get3A_28 = arith.constant 0 : index
      %get3A_29 = vector.load %arg0[%get3A_26, %get3A_27, %get3A_28] : memref<6x8x2048xf32, #tpu.memory_space<vmem>>, vector<1x8x2048xf32>
      %get3A_30 = vector.shape_cast %get3A_29 : vector<1x8x2048xf32> to vector<8x2048xf32>
      %jit3A_31 = arith.constant 0.000000e+00 : f32
      %broadcast_in_dim3A_32 = vector.broadcast %jit3A_31 : f32 to vector<8x2048xf32>
      %select_n3A_33 = arith.select %eq3A_17, %get3A_30, %broadcast_in_dim3A_32 : vector<8x2048xi1>, vector<8x2048xf32>
      %reduce_sum3A_34 = arith.constant dense<0.000000e+00> : vector<8xf32>
      %reduce_sum3A_35 = vector.multi_reduction <add>, %select_n3A_33, %reduce_sum3A_34 [1] : vector<8x2048xf32> to vector<8xf32>
      %broadcast_in_dim3A_36 = vector.shape_cast %reduce_sum3A_35 : vector<8xf32> to vector<8x1xf32>
      %sub3A_37 = vector.broadcast %broadcast_in_dim3A_36 : vector<8x1xf32> to vector<8x2048xf32>
      %sub3A_38 = arith.subf %get3A_30, %sub3A_37 : vector<8x2048xf32>
      %mul3A_39 = arith.mulf %sub3A_38, %sub3A_38 : vector<8x2048xf32>
      %get3A_40 = arith.constant 2 : index
      %get3A_41 = arith.constant 0 : index
      %get3A_42 = arith.constant 0 : index
      %get3A_43 = vector.load %arg0[%get3A_40, %get3A_41, %get3A_42] : memref<6x8x2048xf32, #tpu.memory_space<vmem>>, vector<1x8x2048xf32>
      %get3A_44 = vector.shape_cast %get3A_43 : vector<1x8x2048xf32> to vector<8x2048xf32>
      %jit3A_45 = arith.constant 0.000000e+00 : f32
      %broadcast_in_dim3A_46 = vector.broadcast %jit3A_45 : f32 to vector<8x2048xf32>
      %select_n3A_47 = arith.select %eq3A_17, %get3A_44, %broadcast_in_dim3A_46 : vector<8x2048xi1>, vector<8x2048xf32>
      %reduce_sum3A_48 = arith.constant dense<0.000000e+00> : vector<8xf32>
      %reduce_sum3A_49 = vector.multi_reduction <add>, %select_n3A_47, %reduce_sum3A_48 [1] : vector<8x2048xf32> to vector<8xf32>
      %broadcast_in_dim3A_50 = vector.shape_cast %reduce_sum3A_49 : vector<8xf32> to vector<8x1xf32>
      %sub3A_51 = vector.broadcast %broadcast_in_dim3A_50 : vector<8x1xf32> to vector<8x2048xf32>
      %sub3A_52 = arith.subf %get3A_44, %sub3A_51 : vector<8x2048xf32>
      %mul3A_53 = arith.mulf %sub3A_52, %sub3A_52 : vector<8x2048xf32>
      %get3A_54 = arith.constant 3 : index
      %get3A_55 = arith.constant 0 : index
      %get3A_56 = arith.constant 0 : index
      %get3A_57 = vector.load %arg0[%get3A_54, %get3A_55, %get3A_56] : memref<6x8x2048xf32, #tpu.memory_space<vmem>>, vector<1x8x2048xf32>
      %get3A_58 = vector.shape_cast %get3A_57 : vector<1x8x2048xf32> to vector<8x2048xf32>
      %jit3A_59 = arith.constant 0.000000e+00 : f32
      %broadcast_in_dim3A_60 = vector.broadcast %jit3A_59 : f32 to vector<8x2048xf32>
      %select_n3A_61 = arith.select %eq3A_17, %get3A_58, %broadcast_in_dim3A_60 : vector<8x2048xi1>, vector<8x2048xf32>
      %reduce_sum3A_62 = arith.constant dense<0.000000e+00> : vector<8xf32>
      %reduce_sum3A_63 = vector.multi_reduction <add>, %select_n3A_61, %reduce_sum3A_62 [1] : vector<8x2048xf32> to vector<8xf32>
      %broadcast_in_dim3A_64 = vector.shape_cast %reduce_sum3A_63 : vector<8xf32> to vector<8x1xf32>
      %sub3A_65 = vector.broadcast %broadcast_in_dim3A_64 : vector<8x1xf32> to vector<8x2048xf32>
      %sub3A_66 = arith.subf %get3A_58, %sub3A_65 : vector<8x2048xf32>
      %mul3A_67 = arith.mulf %sub3A_66, %sub3A_66 : vector<8x2048xf32>
      %get3A_68 = arith.constant 4 : index
      %get3A_69 = arith.constant 0 : index
      %get3A_70 = arith.constant 0 : index
      %get3A_71 = vector.load %arg0[%get3A_68, %get3A_69, %get3A_70] : memref<6x8x2048xf32, #tpu.memory_space<vmem>>, vector<1x8x2048xf32>
      %get3A_72 = vector.shape_cast %get3A_71 : vector<1x8x2048xf32> to vector<8x2048xf32>
      %jit3A_73 = arith.constant 0.000000e+00 : f32
      %broadcast_in_dim3A_74 = vector.broadcast %jit3A_73 : f32 to vector<8x2048xf32>
      %select_n3A_75 = arith.select %eq3A_17, %get3A_72, %broadcast_in_dim3A_74 : vector<8x2048xi1>, vector<8x2048xf32>
      %reduce_sum3A_76 = arith.constant dense<0.000000e+00> : vector<8xf32>
      %reduce_sum3A_77 = vector.multi_reduction <add>, %select_n3A_75, %reduce_sum3A_76 [1] : vector<8x2048xf32> to vector<8xf32>
      %broadcast_in_dim3A_78 = vector.shape_cast %reduce_sum3A_77 : vector<8xf32> to vector<8x1xf32>
      %sub3A_79 = vector.broadcast %broadcast_in_dim3A_78 : vector<8x1xf32> to vector<8x2048xf32>
      %sub3A_80 = arith.subf %get3A_72, %sub3A_79 : vector<8x2048xf32>
      %mul3A_81 = arith.mulf %sub3A_80, %sub3A_80 : vector<8x2048xf32>
      %get3A_82 = arith.constant 5 : index
      %get3A_83 = arith.constant 0 : index
      %get3A_84 = arith.constant 0 : index
      %get3A_85 = vector.load %arg0[%get3A_82, %get3A_83, %get3A_84] : memref<6x8x2048xf32, #tpu.memory_space<vmem>>, vector<1x8x2048xf32>
      %get3A_86 = vector.shape_cast %get3A_85 : vector<1x8x2048xf32> to vector<8x2048xf32>
      %jit3A_87 = arith.constant 0.000000e+00 : f32
      %broadcast_in_dim3A_88 = vector.broadcast %jit3A_87 : f32 to vector<8x2048xf32>
      %select_n3A_89 = arith.select %eq3A_17, %get3A_86, %broadcast_in_dim3A_88 : vector<8x2048xi1>, vector<8x2048xf32>
      %reduce_sum3A_90 = arith.constant dense<0.000000e+00> : vector<8xf32>
      %reduce_sum3A_91 = vector.multi_reduction <add>, %select_n3A_89, %reduce_sum3A_90 [1] : vector<8x2048xf32> to vector<8xf32>
      %broadcast_in_dim3A_92 = vector.shape_cast %reduce_sum3A_91 : vector<8xf32> to vector<8x1xf32>
      %sub3A_93 = vector.broadcast %broadcast_in_dim3A_92 : vector<8x1xf32> to vector<8x2048xf32>
      %sub3A_94 = arith.subf %get3A_86, %sub3A_93 : vector<8x2048xf32>
      %mul3A_95 = arith.mulf %sub3A_94, %sub3A_94 : vector<8x2048xf32>
      %add3A = arith.addf %mul3A, %mul3A_81 : vector<8x2048xf32>
      %add3A_96 = arith.addf %add3A, %mul3A_53 : vector<8x2048xf32>
      %add3A_97 = arith.addf %mul3A_39, %mul3A_95 : vector<8x2048xf32>
      %add3A_98 = arith.addf %add3A_97, %mul3A_67 : vector<8x2048xf32>
      %add3A_99 = arith.addf %add3A_96, %add3A_98 : vector<8x2048xf32>
      %min3A = arith.minimumf %scan3A_15, %add3A_99 : vector<8x2048xf32>
      %reduce_max3A = arith.constant dense<0xFF800000> : vector<8xf32>
      %reduce_max3A_100 = vector.multi_reduction <maximumf>, %min3A, %reduce_max3A [1] : vector<8x2048xf32> to vector<8xf32>
      %broadcast_in_dim3A_101 = vector.shape_cast %reduce_max3A_100 : vector<8xf32> to vector<8x1xf32>
      %eq3A_102 = vector.broadcast %broadcast_in_dim3A_101 : vector<8x1xf32> to vector<8x2048xf32>
      %eq3A_103 = arith.cmpf oeq, %min3A, %eq3A_102 : vector<8x2048xf32>
      %jit3A_104 = arith.constant 2048 : i32
      %broadcast_in_dim3A_105 = vector.broadcast %jit3A_104 : i32 to vector<8x2048xi32>
      %select_n3A_106 = arith.select %eq3A_103, %iota3A, %broadcast_in_dim3A_105 : vector<8x2048xi1>, vector<8x2048xi32>
      %reduce_min3A = arith.constant dense<2147483647> : vector<8xi32>
      %reduce_min3A_107 = vector.multi_reduction <minsi>, %select_n3A_106, %reduce_min3A [1] : vector<8x2048xi32> to vector<8xi32>
      %broadcast_in_dim3A_108 = vector.shape_cast %reduce_min3A_107 : vector<8xi32> to vector<8x1xi32>
      %eq3A_109 = vector.broadcast %scan3A_13 : i32 to vector<8x1024xi32>
      %eq3A_110 = arith.cmpi eq, %iota3A_0, %eq3A_109 : vector<8x1024xi32>
      %broadcast_in_dim3A_111 = vector.shape_cast %broadcast_in_dim3A_108 : vector<8x1xi32> to vector<8x1xi32>
      %broadcast_in_dim3A_112 = vector.broadcast %broadcast_in_dim3A_111 : vector<8x1xi32> to vector<8x1024xi32>
      %select_n3A_113 = arith.select %eq3A_110, %broadcast_in_dim3A_112, %scan3A_16 : vector<8x1024xi1>, vector<8x1024xi32>
      scf.yield %broadcast_in_dim3A_108, %min3A, %select_n3A_113 : vector<8x1xi32>, vector<8x2048xf32>, vector<8x1024xi32>
    }
    %scan3A_10 = arith.constant 1023 : i32
    %swap3A = arith.constant 0 : index
    %swap3A_11 = arith.constant 0 : index
    %swap3A_12 = vector.load %arg1[%swap3A, %swap3A_11] : memref<8x1024xi32, #tpu.memory_space<vmem>>, vector<8x1024xi32>
    tpu.vector_store %arg1[%swap3A, %swap3A_11], %scan3A_9#2 {strides = array<i32>} : memref<8x1024xi32, #tpu.memory_space<vmem>>, vector<8x1024xi32>,
    return
  }
}

module attributes {stable_mosaic.version = 14 : i64} {
  func.func @_nbr_kernel(%arg0: i32, %arg1: i32, %arg2: memref<1x8x2048xf32, #tpu.memory_space<vmem>>, %arg3: memref<1x2048x8xf32, #tpu.memory_space<vmem>>, %arg4: memref<1x1x128x1xi32, #tpu.memory_space<vmem>>, %arg5: memref<1x1x128x16xi32, #tpu.memory_space<vmem>>, %arg6: memref<1x1x128x8xf32, #tpu.memory_space<vmem>>) attributes {dimension_semantics = [#tpu.dimension_semantics<arbitrary>, #tpu.dimension_semantics<arbitrary>], iteration_bounds = array<i64: 8, 8>, scalar_prefetch = 0 : i64, scratch_operands = 0 : i64, tpu.core_type = #tpu.core_type<tc>, window_params = [{transform_indices = @transform_0, window_bounds = array<i64: 1, 8, 2048>}, {transform_indices = @transform_1, window_bounds = array<i64: 1, 2048, 8>}, {transform_indices = @transform_2, window_bounds = array<i64: 1, 1, 128, 1>}, {transform_indices = @transform_3, window_bounds = array<i64: 1, 1, 128, 16>}, {transform_indices = @transform_4, window_bounds = array<i64: 1, 1, 128, 8>}]} {
    %get3A = arith.constant 0 : index
    %get3A_0 = arith.constant 0 : index
    %get3A_1 = arith.constant 0 : index
    %get3A_2 = vector.load %arg2[%get3A, %get3A_0, %get3A_1] : memref<1x8x2048xf32, #tpu.memory_space<vmem>>, vector<1x8x2048xf32>
    %get3A_3 = vector.shape_cast %get3A_2 : vector<1x8x2048xf32> to vector<8x2048xf32>
    %get3A_4 = arith.constant 0 : index
    %get3A_5 = arith.constant 0 : index
    %get3A_6 = arith.constant 0 : index
    %get3A_7 = arith.constant 0 : index
    %get3A_8 = vector.load %arg4[%get3A_4, %get3A_5, %get3A_6, %get3A_7] : memref<1x1x128x1xi32, #tpu.memory_space<vmem>>, vector<1x1x128x1xi32>
    %get3A_9 = vector.shape_cast %get3A_8 : vector<1x1x128x1xi32> to vector<128x1xi32>
    %iota3A = tpu.iota {dimensions = array<i32: 1>} : vector<128x2048xi32>
    %eq3A = vector.broadcast %get3A_9 : vector<128x1xi32> to vector<128x2048xi32>
    %eq3A_10 = arith.cmpi eq, %iota3A, %eq3A : vector<128x2048xi32>
    %iota3A_11 = tpu.iota {dimensions = array<i32: 1>} : vector<1x8xi32>
    %broadcast_in_dim3A = arith.constant 0.000000e+00 : f32
    %broadcast_in_dim3A_12 = vector.broadcast %broadcast_in_dim3A : f32 to vector<128x8xf32>
    %slice3A = vector.extract_strided_slice %get3A_3 {offsets = [0, 0], sizes = [1, 2048], strides = [1, 1]} : vector<8x2048xf32> to vector<1x2048xf32>
    %jit3A = arith.constant 0.000000e+00 : f32
    %broadcast_in_dim3A_13 = vector.shape_cast %slice3A : vector<1x2048xf32> to vector<1x2048xf32>
    %broadcast_in_dim3A_14 = vector.broadcast %broadcast_in_dim3A_13 : vector<1x2048xf32> to vector<128x2048xf32>
    %broadcast_in_dim3A_15 = vector.broadcast %jit3A : f32 to vector<128x2048xf32>
    %select_n3A = arith.select %eq3A_10, %broadcast_in_dim3A_14, %broadcast_in_dim3A_15 : vector<128x2048xi1>, vector<128x2048xf32>
    %reduce_sum3A = arith.constant dense<0.000000e+00> : vector<128xf32>
    %reduce_sum3A_16 = vector.multi_reduction <add>, %select_n3A, %reduce_sum3A [1] : vector<128x2048xf32> to vector<128xf32>
    %broadcast_in_dim3A_17 = vector.shape_cast %reduce_sum3A_16 : vector<128xf32> to vector<128x1xf32>
    %eq3A_18 = arith.constant 0 : i32
    %eq3A_19 = vector.broadcast %eq3A_18 : i32 to vector<1x8xi32>
    %eq3A_20 = arith.cmpi eq, %iota3A_11, %eq3A_19 : vector<1x8xi32>
    %convert_element_type3A = arith.extui %eq3A_20 : vector<1x8xi1> to vector<1x8xi32>
    %convert_element_type3A_21 = arith.sitofp %convert_element_type3A : vector<1x8xi32> to vector<1x8xf32>
    %mul3A = vector.broadcast %broadcast_in_dim3A_17 : vector<128x1xf32> to vector<128x8xf32>
    %mul3A_22 = vector.broadcast %convert_element_type3A_21 : vector<1x8xf32> to vector<128x8xf32>
    %mul3A_23 = arith.mulf %mul3A, %mul3A_22 : vector<128x8xf32>
    %add3A = arith.addf %broadcast_in_dim3A_12, %mul3A_23 : vector<128x8xf32>
    %slice3A_24 = vector.extract_strided_slice %get3A_3 {offsets = [1, 0], sizes = [1, 2048], strides = [1, 1]} : vector<8x2048xf32> to vector<1x2048xf32>
    %jit3A_25 = arith.constant 0.000000e+00 : f32
    %broadcast_in_dim3A_26 = vector.shape_cast %slice3A_24 : vector<1x2048xf32> to vector<1x2048xf32>
    %broadcast_in_dim3A_27 = vector.broadcast %broadcast_in_dim3A_26 : vector<1x2048xf32> to vector<128x2048xf32>
    %broadcast_in_dim3A_28 = vector.broadcast %jit3A_25 : f32 to vector<128x2048xf32>
    %select_n3A_29 = arith.select %eq3A_10, %broadcast_in_dim3A_27, %broadcast_in_dim3A_28 : vector<128x2048xi1>, vector<128x2048xf32>
    %reduce_sum3A_30 = arith.constant dense<0.000000e+00> : vector<128xf32>
    %reduce_sum3A_31 = vector.multi_reduction <add>, %select_n3A_29, %reduce_sum3A_30 [1] : vector<128x2048xf32> to vector<128xf32>
    %broadcast_in_dim3A_32 = vector.shape_cast %reduce_sum3A_31 : vector<128xf32> to vector<128x1xf32>
    %eq3A_33 = arith.constant 1 : i32
    %eq3A_34 = vector.broadcast %eq3A_33 : i32 to vector<1x8xi32>
    %eq3A_35 = arith.cmpi eq, %iota3A_11, %eq3A_34 : vector<1x8xi32>
    %convert_element_type3A_36 = arith.extui %eq3A_35 : vector<1x8xi1> to vector<1x8xi32>
    %convert_element_type3A_37 = arith.sitofp %convert_element_type3A_36 : vector<1x8xi32> to vector<1x8xf32>
    %mul3A_38 = vector.broadcast %broadcast_in_dim3A_32 : vector<128x1xf32> to vector<128x8xf32>
    %mul3A_39 = vector.broadcast %convert_element_type3A_37 : vector<1x8xf32> to vector<128x8xf32>
    %mul3A_40 = arith.mulf %mul3A_38, %mul3A_39 : vector<128x8xf32>
    %add3A_41 = arith.addf %add3A, %mul3A_40 : vector<128x8xf32>
    %slice3A_42 = vector.extract_strided_slice %get3A_3 {offsets = [2, 0], sizes = [1, 2048], strides = [1, 1]} : vector<8x2048xf32> to vector<1x2048xf32>
    %jit3A_43 = arith.constant 0.000000e+00 : f32
    %broadcast_in_dim3A_44 = vector.shape_cast %slice3A_42 : vector<1x2048xf32> to vector<1x2048xf32>
    %broadcast_in_dim3A_45 = vector.broadcast %broadcast_in_dim3A_44 : vector<1x2048xf32> to vector<128x2048xf32>
    %broadcast_in_dim3A_46 = vector.broadcast %jit3A_43 : f32 to vector<128x2048xf32>
    %select_n3A_47 = arith.select %eq3A_10, %broadcast_in_dim3A_45, %broadcast_in_dim3A_46 : vector<128x2048xi1>, vector<128x2048xf32>
    %reduce_sum3A_48 = arith.constant dense<0.000000e+00> : vector<128xf32>
    %reduce_sum3A_49 = vector.multi_reduction <add>, %select_n3A_47, %reduce_sum3A_48 [1] : vector<128x2048xf32> to vector<128xf32>
    %broadcast_in_dim3A_50 = vector.shape_cast %reduce_sum3A_49 : vector<128xf32> to vector<128x1xf32>
    %eq3A_51 = arith.constant 2 : i32
    %eq3A_52 = vector.broadcast %eq3A_51 : i32 to vector<1x8xi32>
    %eq3A_53 = arith.cmpi eq, %iota3A_11, %eq3A_52 : vector<1x8xi32>
    %convert_element_type3A_54 = arith.extui %eq3A_53 : vector<1x8xi1> to vector<1x8xi32>
    %convert_element_type3A_55 = arith.sitofp %convert_element_type3A_54 : vector<1x8xi32> to vector<1x8xf32>
    %mul3A_56 = vector.broadcast %broadcast_in_dim3A_50 : vector<128x1xf32> to vector<128x8xf32>
    %mul3A_57 = vector.broadcast %convert_element_type3A_55 : vector<1x8xf32> to vector<128x8xf32>
    %mul3A_58 = arith.mulf %mul3A_56, %mul3A_57 : vector<128x8xf32>
    %add3A_59 = arith.addf %add3A_41, %mul3A_58 : vector<128x8xf32>
    %slice3A_60 = vector.extract_strided_slice %get3A_3 {offsets = [3, 0], sizes = [1, 2048], strides = [1, 1]} : vector<8x2048xf32> to vector<1x2048xf32>
    %jit3A_61 = arith.constant 0.000000e+00 : f32
    %broadcast_in_dim3A_62 = vector.shape_cast %slice3A_60 : vector<1x2048xf32> to vector<1x2048xf32>
    %broadcast_in_dim3A_63 = vector.broadcast %broadcast_in_dim3A_62 : vector<1x2048xf32> to vector<128x2048xf32>
    %broadcast_in_dim3A_64 = vector.broadcast %jit3A_61 : f32 to vector<128x2048xf32>
    %select_n3A_65 = arith.select %eq3A_10, %broadcast_in_dim3A_63, %broadcast_in_dim3A_64 : vector<128x2048xi1>, vector<128x2048xf32>
    %reduce_sum3A_66 = arith.constant dense<0.000000e+00> : vector<128xf32>
    %reduce_sum3A_67 = vector.multi_reduction <add>, %select_n3A_65, %reduce_sum3A_66 [1] : vector<128x2048xf32> to vector<128xf32>
    %broadcast_in_dim3A_68 = vector.shape_cast %reduce_sum3A_67 : vector<128xf32> to vector<128x1xf32>
    %eq3A_69 = arith.constant 3 : i32
    %eq3A_70 = vector.broadcast %eq3A_69 : i32 to vector<1x8xi32>
    %eq3A_71 = arith.cmpi eq, %iota3A_11, %eq3A_70 : vector<1x8xi32>
    %convert_element_type3A_72 = arith.extui %eq3A_71 : vector<1x8xi1> to vector<1x8xi32>
    %convert_element_type3A_73 = arith.sitofp %convert_element_type3A_72 : vector<1x8xi32> to vector<1x8xf32>
    %mul3A_74 = vector.broadcast %broadcast_in_dim3A_68 : vector<128x1xf32> to vector<128x8xf32>
    %mul3A_75 = vector.broadcast %convert_element_type3A_73 : vector<1x8xf32> to vector<128x8xf32>
    %mul3A_76 = arith.mulf %mul3A_74, %mul3A_75 : vector<128x8xf32>
    %add3A_77 = arith.addf %add3A_59, %mul3A_76 : vector<128x8xf32>
    %slice3A_78 = vector.extract_strided_slice %get3A_3 {offsets = [4, 0], sizes = [1, 2048], strides = [1, 1]} : vector<8x2048xf32> to vector<1x2048xf32>
    %jit3A_79 = arith.constant 0.000000e+00 : f32
    %broadcast_in_dim3A_80 = vector.shape_cast %slice3A_78 : vector<1x2048xf32> to vector<1x2048xf32>
    %broadcast_in_dim3A_81 = vector.broadcast %broadcast_in_dim3A_80 : vector<1x2048xf32> to vector<128x2048xf32>
    %broadcast_in_dim3A_82 = vector.broadcast %jit3A_79 : f32 to vector<128x2048xf32>
    %select_n3A_83 = arith.select %eq3A_10, %broadcast_in_dim3A_81, %broadcast_in_dim3A_82 : vector<128x2048xi1>, vector<128x2048xf32>
    %reduce_sum3A_84 = arith.constant dense<0.000000e+00> : vector<128xf32>
    %reduce_sum3A_85 = vector.multi_reduction <add>, %select_n3A_83, %reduce_sum3A_84 [1] : vector<128x2048xf32> to vector<128xf32>
    %broadcast_in_dim3A_86 = vector.shape_cast %reduce_sum3A_85 : vector<128xf32> to vector<128x1xf32>
    %eq3A_87 = arith.constant 4 : i32
    %eq3A_88 = vector.broadcast %eq3A_87 : i32 to vector<1x8xi32>
    %eq3A_89 = arith.cmpi eq, %iota3A_11, %eq3A_88 : vector<1x8xi32>
    %convert_element_type3A_90 = arith.extui %eq3A_89 : vector<1x8xi1> to vector<1x8xi32>
    %convert_element_type3A_91 = arith.sitofp %convert_element_type3A_90 : vector<1x8xi32> to vector<1x8xf32>
    %mul3A_92 = vector.broadcast %broadcast_in_dim3A_86 : vector<128x1xf32> to vector<128x8xf32>
    %mul3A_93 = vector.broadcast %convert_element_type3A_91 : vector<1x8xf32> to vector<128x8xf32>
    %mul3A_94 = arith.mulf %mul3A_92, %mul3A_93 : vector<128x8xf32>
    %add3A_95 = arith.addf %add3A_77, %mul3A_94 : vector<128x8xf32>
    %slice3A_96 = vector.extract_strided_slice %get3A_3 {offsets = [5, 0], sizes = [1, 2048], strides = [1, 1]} : vector<8x2048xf32> to vector<1x2048xf32>
    %jit3A_97 = arith.constant 0.000000e+00 : f32
    %broadcast_in_dim3A_98 = vector.shape_cast %slice3A_96 : vector<1x2048xf32> to vector<1x2048xf32>
    %broadcast_in_dim3A_99 = vector.broadcast %broadcast_in_dim3A_98 : vector<1x2048xf32> to vector<128x2048xf32>
    %broadcast_in_dim3A_100 = vector.broadcast %jit3A_97 : f32 to vector<128x2048xf32>
    %select_n3A_101 = arith.select %eq3A_10, %broadcast_in_dim3A_99, %broadcast_in_dim3A_100 : vector<128x2048xi1>, vector<128x2048xf32>
    %reduce_sum3A_102 = arith.constant dense<0.000000e+00> : vector<128xf32>
    %reduce_sum3A_103 = vector.multi_reduction <add>, %select_n3A_101, %reduce_sum3A_102 [1] : vector<128x2048xf32> to vector<128xf32>
    %broadcast_in_dim3A_104 = vector.shape_cast %reduce_sum3A_103 : vector<128xf32> to vector<128x1xf32>
    %eq3A_105 = arith.constant 5 : i32
    %eq3A_106 = vector.broadcast %eq3A_105 : i32 to vector<1x8xi32>
    %eq3A_107 = arith.cmpi eq, %iota3A_11, %eq3A_106 : vector<1x8xi32>
    %convert_element_type3A_108 = arith.extui %eq3A_107 : vector<1x8xi1> to vector<1x8xi32>
    %convert_element_type3A_109 = arith.sitofp %convert_element_type3A_108 : vector<1x8xi32> to vector<1x8xf32>
    %mul3A_110 = vector.broadcast %broadcast_in_dim3A_104 : vector<128x1xf32> to vector<128x8xf32>
    %mul3A_111 = vector.broadcast %convert_element_type3A_109 : vector<1x8xf32> to vector<128x8xf32>
    %mul3A_112 = arith.mulf %mul3A_110, %mul3A_111 : vector<128x8xf32>
    %add3A_113 = arith.addf %add3A_95, %mul3A_112 : vector<128x8xf32>
    %mul3A_114 = arith.mulf %broadcast_in_dim3A_17, %broadcast_in_dim3A_17 : vector<128x1xf32>
    %mul3A_115 = arith.mulf %broadcast_in_dim3A_32, %broadcast_in_dim3A_32 : vector<128x1xf32>
    %mul3A_116 = arith.mulf %broadcast_in_dim3A_50, %broadcast_in_dim3A_50 : vector<128x1xf32>
    %mul3A_117 = arith.mulf %broadcast_in_dim3A_68, %broadcast_in_dim3A_68 : vector<128x1xf32>
    %mul3A_118 = arith.mulf %broadcast_in_dim3A_86, %broadcast_in_dim3A_86 : vector<128x1xf32>
    %mul3A_119 = arith.mulf %broadcast_in_dim3A_104, %broadcast_in_dim3A_104 : vector<128x1xf32>
    %add3A_120 = arith.addf %mul3A_114, %mul3A_118 : vector<128x1xf32>
    %add3A_121 = arith.addf %add3A_120, %mul3A_116 : vector<128x1xf32>
    %add3A_122 = arith.addf %mul3A_115, %mul3A_119 : vector<128x1xf32>
    %add3A_123 = arith.addf %add3A_122, %mul3A_117 : vector<128x1xf32>
    %add3A_124 = arith.addf %add3A_121, %add3A_123 : vector<128x1xf32>
    %slice3A_125 = vector.extract_strided_slice %get3A_3 {offsets = [0, 0], sizes = [1, 2048], strides = [1, 1]} : vector<8x2048xf32> to vector<1x2048xf32>
    %slice3A_126 = vector.extract_strided_slice %get3A_3 {offsets = [0, 0], sizes = [1, 2048], strides = [1, 1]} : vector<8x2048xf32> to vector<1x2048xf32>
    %mul3A_127 = arith.mulf %slice3A_125, %slice3A_126 : vector<1x2048xf32>
    %slice3A_128 = vector.extract_strided_slice %get3A_3 {offsets = [1, 0], sizes = [1, 2048], strides = [1, 1]} : vector<8x2048xf32> to vector<1x2048xf32>
    %slice3A_129 = vector.extract_strided_slice %get3A_3 {offsets = [1, 0], sizes = [1, 2048], strides = [1, 1]} : vector<8x2048xf32> to vector<1x2048xf32>
    %mul3A_130 = arith.mulf %slice3A_128, %slice3A_129 : vector<1x2048xf32>
    %slice3A_131 = vector.extract_strided_slice %get3A_3 {offsets = [2, 0], sizes = [1, 2048], strides = [1, 1]} : vector<8x2048xf32> to vector<1x2048xf32>
    %slice3A_132 = vector.extract_strided_slice %get3A_3 {offsets = [2, 0], sizes = [1, 2048], strides = [1, 1]} : vector<8x2048xf32> to vector<1x2048xf32>
    %mul3A_133 = arith.mulf %slice3A_131, %slice3A_132 : vector<1x2048xf32>
    %slice3A_134 = vector.extract_strided_slice %get3A_3 {offsets = [3, 0], sizes = [1, 2048], strides = [1, 1]} : vector<8x2048xf32> to vector<1x2048xf32>
    %slice3A_135 = vector.extract_strided_slice %get3A_3 {offsets = [3, 0], sizes = [1, 2048], strides = [1, 1]} : vector<8x2048xf32> to vector<1x2048xf32>
    %mul3A_136 = arith.mulf %slice3A_134, %slice3A_135 : vector<1x2048xf32>
    %slice3A_137 = vector.extract_strided_slice %get3A_3 {offsets = [4, 0], sizes = [1, 2048], strides = [1, 1]} : vector<8x2048xf32> to vector<1x2048xf32>
    %slice3A_138 = vector.extract_strided_slice %get3A_3 {offsets = [4, 0], sizes = [1, 2048], strides = [1, 1]} : vector<8x2048xf32> to vector<1x2048xf32>
    %mul3A_139 = arith.mulf %slice3A_137, %slice3A_138 : vector<1x2048xf32>
    %slice3A_140 = vector.extract_strided_slice %get3A_3 {offsets = [5, 0], sizes = [1, 2048], strides = [1, 1]} : vector<8x2048xf32> to vector<1x2048xf32>
    %slice3A_141 = vector.extract_strided_slice %get3A_3 {offsets = [5, 0], sizes = [1, 2048], strides = [1, 1]} : vector<8x2048xf32> to vector<1x2048xf32>
    %mul3A_142 = arith.mulf %slice3A_140, %slice3A_141 : vector<1x2048xf32>
    %add3A_143 = arith.addf %mul3A_127, %mul3A_139 : vector<1x2048xf32>
    %add3A_144 = arith.addf %add3A_143, %mul3A_133 : vector<1x2048xf32>
    %add3A_145 = arith.addf %mul3A_130, %mul3A_142 : vector<1x2048xf32>
    %add3A_146 = arith.addf %add3A_145, %mul3A_136 : vector<1x2048xf32>
    %add3A_147 = arith.addf %add3A_144, %add3A_146 : vector<1x2048xf32>
    %get3A_148 = arith.constant 0 : index
    %get3A_149 = arith.constant 0 : index
    %get3A_150 = arith.constant 0 : index
    %get3A_151 = vector.load %arg3[%get3A_148, %get3A_149, %get3A_150] : memref<1x2048x8xf32, #tpu.memory_space<vmem>>, vector<1x2048x8xf32>
    %get3A_152 = vector.shape_cast %get3A_151 : vector<1x2048x8xf32> to vector<2048x8xf32>
    %dot_general3A = arith.constant dense<0.000000e+00> : vector<128x2048xf32>
    %dot_general3A_153 = tpu.matmul %add3A_113, %get3A_152, %dot_general3A {dimension_numbers = #tpu.dot_dimension_numbers<[1], [1], [0], [0], [0, 0, 1, 0], [], []>, transpose_lhs_hint = false} : vector<128x8xf32>, vector<2048x8xf32>, vector<128x2048xf32> -> vector<128x2048xf32>
    %add3A_154 = vector.broadcast %add3A_124 : vector<128x1xf32> to vector<128x2048xf32>
    %add3A_155 = vector.broadcast %add3A_147 : vector<1x2048xf32> to vector<128x2048xf32>
    %add3A_156 = arith.addf %add3A_154, %add3A_155 : vector<128x2048xf32>
    %mul3A_157 = arith.constant 2.000000e+00 : f32
    %mul3A_158 = vector.broadcast %mul3A_157 : f32 to vector<128x2048xf32>
    %mul3A_159 = arith.mulf %mul3A_158, %dot_general3A_153 : vector<128x2048xf32>
    %sub3A = arith.subf %add3A_156, %mul3A_159 : vector<128x2048xf32>
    %reduce_min3A = arith.constant dense<0x7F800000> : vector<128xf32>
    %reduce_min3A_160 = vector.multi_reduction <minimumf>, %sub3A, %reduce_min3A [1] : vector<128x2048xf32> to vector<128xf32>
    %broadcast_in_dim3A_161 = vector.shape_cast %reduce_min3A_160 : vector<128xf32> to vector<128x1xf32>
    %eq3A_162 = vector.broadcast %broadcast_in_dim3A_161 : vector<128x1xf32> to vector<128x2048xf32>
    %eq3A_163 = arith.cmpf oeq, %sub3A, %eq3A_162 : vector<128x2048xf32>
    %jit3A_164 = arith.constant 2048 : i32
    %broadcast_in_dim3A_165 = vector.broadcast %jit3A_164 : i32 to vector<128x2048xi32>
    %select_n3A_166 = arith.select %eq3A_163, %iota3A, %broadcast_in_dim3A_165 : vector<128x2048xi1>, vector<128x2048xi32>
    %reduce_min3A_167 = arith.constant dense<2147483647> : vector<128xi32>
    %reduce_min3A_168 = vector.multi_reduction <minsi>, %select_n3A_166, %reduce_min3A_167 [1] : vector<128x2048xi32> to vector<128xi32>
    %broadcast_in_dim3A_169 = vector.shape_cast %reduce_min3A_168 : vector<128xi32> to vector<128x1xi32>
    %swap3A = arith.constant 0 : index
    %swap3A_170 = arith.constant 0 : index
    %swap3A_171 = arith.constant 0 : index
    %swap3A_172 = arith.constant 0 : index
    %swap3A_173 = vector.load %arg5[%swap3A, %swap3A_170, %swap3A_171, %swap3A_172] : memref<1x1x128x16xi32, #tpu.memory_space<vmem>>, vector<1x1x128x1xi32>
    %swap3A_174 = vector.shape_cast %swap3A_173 : vector<1x1x128x1xi32> to vector<128x1xi32>
    %swap3A_175 = vector.shape_cast %broadcast_in_dim3A_169 : vector<128x1xi32> to vector<1x1x128x1xi32>
    tpu.vector_store %arg5[%swap3A, %swap3A_170, %swap3A_171, %swap3A_172], %swap3A_175 {strides = array<i32>} : memref<1x1x128x16xi32, #tpu.memory_space<vmem>>, vector<1x1x128x1xi32>,
    %eq3A_176 = vector.broadcast %broadcast_in_dim3A_169 : vector<128x1xi32> to vector<128x2048xi32>
    %eq3A_177 = arith.cmpi eq, %iota3A, %eq3A_176 : vector<128x2048xi32>
    %jit3A_178 = arith.constant 0x7F800000 : f32
    %broadcast_in_dim3A_179 = vector.broadcast %jit3A_178 : f32 to vector<128x2048xf32>
    %select_n3A_180 = arith.select %eq3A_177, %broadcast_in_dim3A_179, %sub3A : vector<128x2048xi1>, vector<128x2048xf32>
    %reduce_min3A_181 = arith.constant dense<0x7F800000> : vector<128xf32>
    %reduce_min3A_182 = vector.multi_reduction <minimumf>, %select_n3A_180, %reduce_min3A_181 [1] : vector<128x2048xf32> to vector<128xf32>
    %broadcast_in_dim3A_183 = vector.shape_cast %reduce_min3A_182 : vector<128xf32> to vector<128x1xf32>
    %eq3A_184 = vector.broadcast %broadcast_in_dim3A_183 : vector<128x1xf32> to vector<128x2048xf32>
    %eq3A_185 = arith.cmpf oeq, %select_n3A_180, %eq3A_184 : vector<128x2048xf32>
    %jit3A_186 = arith.constant 2048 : i32
    %broadcast_in_dim3A_187 = vector.broadcast %jit3A_186 : i32 to vector<128x2048xi32>
    %select_n3A_188 = arith.select %eq3A_185, %iota3A, %broadcast_in_dim3A_187 : vector<128x2048xi1>, vector<128x2048xi32>
    %reduce_min3A_189 = arith.constant dense<2147483647> : vector<128xi32>
    %reduce_min3A_190 = vector.multi_reduction <minsi>, %select_n3A_188, %reduce_min3A_189 [1] : vector<128x2048xi32> to vector<128xi32>
    %broadcast_in_dim3A_191 = vector.shape_cast %reduce_min3A_190 : vector<128xi32> to vector<128x1xi32>
    %le3A = arith.constant 4.000000e+00 : f32
    %le3A_192 = vector.broadcast %le3A : f32 to vector<128x1xf32>
    %le3A_193 = arith.cmpf ole, %broadcast_in_dim3A_183, %le3A_192 : vector<128x1xf32>
    %select_n3A_194 = arith.select %le3A_193, %broadcast_in_dim3A_191, %broadcast_in_dim3A_169 : vector<128x1xi1>, vector<128x1xi32>
    %swap3A_195 = arith.constant 0 : index
    %swap3A_196 = arith.constant 0 : index
    %swap3A_197 = arith.constant 0 : index
    %swap3A_198 = arith.constant 1 : index
    %swap3A_199 = vector.load %arg5[%swap3A_195, %swap3A_196, %swap3A_197, %swap3A_198] : memref<1x1x128x16xi32, #tpu.memory_space<vmem>>, vector<1x1x128x1xi32>
    %swap3A_200 = vector.shape_cast %swap3A_199 : vector<1x1x128x1xi32> to vector<128x1xi32>
    %swap3A_201 = vector.shape_cast %select_n3A_194 : vector<128x1xi32> to vector<1x1x128x1xi32>
    tpu.vector_store %arg5[%swap3A_195, %swap3A_196, %swap3A_197, %swap3A_198], %swap3A_201 {strides = array<i32>} : memref<1x1x128x16xi32, #tpu.memory_space<vmem>>, vector<1x1x128x1xi32>,
    %eq3A_202 = vector.broadcast %broadcast_in_dim3A_191 : vector<128x1xi32> to vector<128x2048xi32>
    %eq3A_203 = arith.cmpi eq, %iota3A, %eq3A_202 : vector<128x2048xi32>
    %jit3A_204 = arith.constant 0x7F800000 : f32
    %broadcast_in_dim3A_205 = vector.broadcast %jit3A_204 : f32 to vector<128x2048xf32>
    %select_n3A_206 = arith.select %eq3A_203, %broadcast_in_dim3A_205, %select_n3A_180 : vector<128x2048xi1>, vector<128x2048xf32>
    %reduce_min3A_207 = arith.constant dense<0x7F800000> : vector<128xf32>
    %reduce_min3A_208 = vector.multi_reduction <minimumf>, %select_n3A_206, %reduce_min3A_207 [1] : vector<128x2048xf32> to vector<128xf32>
    %broadcast_in_dim3A_209 = vector.shape_cast %reduce_min3A_208 : vector<128xf32> to vector<128x1xf32>
    %eq3A_210 = vector.broadcast %broadcast_in_dim3A_209 : vector<128x1xf32> to vector<128x2048xf32>
    %eq3A_211 = arith.cmpf oeq, %select_n3A_206, %eq3A_210 : vector<128x2048xf32>
    %jit3A_212 = arith.constant 2048 : i32
    %broadcast_in_dim3A_213 = vector.broadcast %jit3A_212 : i32 to vector<128x2048xi32>
    %select_n3A_214 = arith.select %eq3A_211, %iota3A, %broadcast_in_dim3A_213 : vector<128x2048xi1>, vector<128x2048xi32>
    %reduce_min3A_215 = arith.constant dense<2147483647> : vector<128xi32>
    %reduce_min3A_216 = vector.multi_reduction <minsi>, %select_n3A_214, %reduce_min3A_215 [1] : vector<128x2048xi32> to vector<128xi32>
    %broadcast_in_dim3A_217 = vector.shape_cast %reduce_min3A_216 : vector<128xi32> to vector<128x1xi32>
    %le3A_218 = arith.constant 4.000000e+00 : f32
    %le3A_219 = vector.broadcast %le3A_218 : f32 to vector<128x1xf32>
    %le3A_220 = arith.cmpf ole, %broadcast_in_dim3A_209, %le3A_219 : vector<128x1xf32>
    %select_n3A_221 = arith.select %le3A_220, %broadcast_in_dim3A_217, %broadcast_in_dim3A_169 : vector<128x1xi1>, vector<128x1xi32>
    %swap3A_222 = arith.constant 0 : index
    %swap3A_223 = arith.constant 0 : index
    %swap3A_224 = arith.constant 0 : index
    %swap3A_225 = arith.constant 2 : index
    %swap3A_226 = vector.load %arg5[%swap3A_222, %swap3A_223, %swap3A_224, %swap3A_225] : memref<1x1x128x16xi32, #tpu.memory_space<vmem>>, vector<1x1x128x1xi32>
    %swap3A_227 = vector.shape_cast %swap3A_226 : vector<1x1x128x1xi32> to vector<128x1xi32>
    %swap3A_228 = vector.shape_cast %select_n3A_221 : vector<128x1xi32> to vector<1x1x128x1xi32>
    tpu.vector_store %arg5[%swap3A_222, %swap3A_223, %swap3A_224, %swap3A_225], %swap3A_228 {strides = array<i32>} : memref<1x1x128x16xi32, #tpu.memory_space<vmem>>, vector<1x1x128x1xi32>,
    %eq3A_229 = vector.broadcast %broadcast_in_dim3A_217 : vector<128x1xi32> to vector<128x2048xi32>
    %eq3A_230 = arith.cmpi eq, %iota3A, %eq3A_229 : vector<128x2048xi32>
    %jit3A_231 = arith.constant 0x7F800000 : f32
    %broadcast_in_dim3A_232 = vector.broadcast %jit3A_231 : f32 to vector<128x2048xf32>
    %select_n3A_233 = arith.select %eq3A_230, %broadcast_in_dim3A_232, %select_n3A_206 : vector<128x2048xi1>, vector<128x2048xf32>
    %reduce_min3A_234 = arith.constant dense<0x7F800000> : vector<128xf32>
    %reduce_min3A_235 = vector.multi_reduction <minimumf>, %select_n3A_233, %reduce_min3A_234 [1] : vector<128x2048xf32> to vector<128xf32>
    %broadcast_in_dim3A_236 = vector.shape_cast %reduce_min3A_235 : vector<128xf32> to vector<128x1xf32>
    %eq3A_237 = vector.broadcast %broadcast_in_dim3A_236 : vector<128x1xf32> to vector<128x2048xf32>
    %eq3A_238 = arith.cmpf oeq, %select_n3A_233, %eq3A_237 : vector<128x2048xf32>
    %jit3A_239 = arith.constant 2048 : i32
    %broadcast_in_dim3A_240 = vector.broadcast %jit3A_239 : i32 to vector<128x2048xi32>
    %select_n3A_241 = arith.select %eq3A_238, %iota3A, %broadcast_in_dim3A_240 : vector<128x2048xi1>, vector<128x2048xi32>
    %reduce_min3A_242 = arith.constant dense<2147483647> : vector<128xi32>
    %reduce_min3A_243 = vector.multi_reduction <minsi>, %select_n3A_241, %reduce_min3A_242 [1] : vector<128x2048xi32> to vector<128xi32>
    %broadcast_in_dim3A_244 = vector.shape_cast %reduce_min3A_243 : vector<128xi32> to vector<128x1xi32>
    %le3A_245 = arith.constant 4.000000e+00 : f32
    %le3A_246 = vector.broadcast %le3A_245 : f32 to vector<128x1xf32>
    %le3A_247 = arith.cmpf ole, %broadcast_in_dim3A_236, %le3A_246 : vector<128x1xf32>
    %select_n3A_248 = arith.select %le3A_247, %broadcast_in_dim3A_244, %broadcast_in_dim3A_169 : vector<128x1xi1>, vector<128x1xi32>
    %swap3A_249 = arith.constant 0 : index
    %swap3A_250 = arith.constant 0 : index
    %swap3A_251 = arith.constant 0 : index
    %swap3A_252 = arith.constant 3 : index
    %swap3A_253 = vector.load %arg5[%swap3A_249, %swap3A_250, %swap3A_251, %swap3A_252] : memref<1x1x128x16xi32, #tpu.memory_space<vmem>>, vector<1x1x128x1xi32>
    %swap3A_254 = vector.shape_cast %swap3A_253 : vector<1x1x128x1xi32> to vector<128x1xi32>
    %swap3A_255 = vector.shape_cast %select_n3A_248 : vector<128x1xi32> to vector<1x1x128x1xi32>
    tpu.vector_store %arg5[%swap3A_249, %swap3A_250, %swap3A_251, %swap3A_252], %swap3A_255 {strides = array<i32>} : memref<1x1x128x16xi32, #tpu.memory_space<vmem>>, vector<1x1x128x1xi32>,
    %eq3A_256 = vector.broadcast %broadcast_in_dim3A_244 : vector<128x1xi32> to vector<128x2048xi32>
    %eq3A_257 = arith.cmpi eq, %iota3A, %eq3A_256 : vector<128x2048xi32>
    %jit3A_258 = arith.constant 0x7F800000 : f32
    %broadcast_in_dim3A_259 = vector.broadcast %jit3A_258 : f32 to vector<128x2048xf32>
    %select_n3A_260 = arith.select %eq3A_257, %broadcast_in_dim3A_259, %select_n3A_233 : vector<128x2048xi1>, vector<128x2048xf32>
    %reduce_min3A_261 = arith.constant dense<0x7F800000> : vector<128xf32>
    %reduce_min3A_262 = vector.multi_reduction <minimumf>, %select_n3A_260, %reduce_min3A_261 [1] : vector<128x2048xf32> to vector<128xf32>
    %broadcast_in_dim3A_263 = vector.shape_cast %reduce_min3A_262 : vector<128xf32> to vector<128x1xf32>
    %eq3A_264 = vector.broadcast %broadcast_in_dim3A_263 : vector<128x1xf32> to vector<128x2048xf32>
    %eq3A_265 = arith.cmpf oeq, %select_n3A_260, %eq3A_264 : vector<128x2048xf32>
    %jit3A_266 = arith.constant 2048 : i32
    %broadcast_in_dim3A_267 = vector.broadcast %jit3A_266 : i32 to vector<128x2048xi32>
    %select_n3A_268 = arith.select %eq3A_265, %iota3A, %broadcast_in_dim3A_267 : vector<128x2048xi1>, vector<128x2048xi32>
    %reduce_min3A_269 = arith.constant dense<2147483647> : vector<128xi32>
    %reduce_min3A_270 = vector.multi_reduction <minsi>, %select_n3A_268, %reduce_min3A_269 [1] : vector<128x2048xi32> to vector<128xi32>
    %broadcast_in_dim3A_271 = vector.shape_cast %reduce_min3A_270 : vector<128xi32> to vector<128x1xi32>
    %le3A_272 = arith.constant 4.000000e+00 : f32
    %le3A_273 = vector.broadcast %le3A_272 : f32 to vector<128x1xf32>
    %le3A_274 = arith.cmpf ole, %broadcast_in_dim3A_263, %le3A_273 : vector<128x1xf32>
    %select_n3A_275 = arith.select %le3A_274, %broadcast_in_dim3A_271, %broadcast_in_dim3A_169 : vector<128x1xi1>, vector<128x1xi32>
    %swap3A_276 = arith.constant 0 : index
    %swap3A_277 = arith.constant 0 : index
    %swap3A_278 = arith.constant 0 : index
    %swap3A_279 = arith.constant 4 : index
    %swap3A_280 = vector.load %arg5[%swap3A_276, %swap3A_277, %swap3A_278, %swap3A_279] : memref<1x1x128x16xi32, #tpu.memory_space<vmem>>, vector<1x1x128x1xi32>
    %swap3A_281 = vector.shape_cast %swap3A_280 : vector<1x1x128x1xi32> to vector<128x1xi32>
    %swap3A_282 = vector.shape_cast %select_n3A_275 : vector<128x1xi32> to vector<1x1x128x1xi32>
    tpu.vector_store %arg5[%swap3A_276, %swap3A_277, %swap3A_278, %swap3A_279], %swap3A_282 {strides = array<i32>} : memref<1x1x128x16xi32, #tpu.memory_space<vmem>>, vector<1x1x128x1xi32>,
    %eq3A_283 = vector.broadcast %broadcast_in_dim3A_271 : vector<128x1xi32> to vector<128x2048xi32>
    %eq3A_284 = arith.cmpi eq, %iota3A, %eq3A_283 : vector<128x2048xi32>
    %jit3A_285 = arith.constant 0x7F800000 : f32
    %broadcast_in_dim3A_286 = vector.broadcast %jit3A_285 : f32 to vector<128x2048xf32>
    %select_n3A_287 = arith.select %eq3A_284, %broadcast_in_dim3A_286, %select_n3A_260 : vector<128x2048xi1>, vector<128x2048xf32>
    %reduce_min3A_288 = arith.constant dense<0x7F800000> : vector<128xf32>
    %reduce_min3A_289 = vector.multi_reduction <minimumf>, %select_n3A_287, %reduce_min3A_288 [1] : vector<128x2048xf32> to vector<128xf32>
    %broadcast_in_dim3A_290 = vector.shape_cast %reduce_min3A_289 : vector<128xf32> to vector<128x1xf32>
    %eq3A_291 = vector.broadcast %broadcast_in_dim3A_290 : vector<128x1xf32> to vector<128x2048xf32>
    %eq3A_292 = arith.cmpf oeq, %select_n3A_287, %eq3A_291 : vector<128x2048xf32>
    %jit3A_293 = arith.constant 2048 : i32
    %broadcast_in_dim3A_294 = vector.broadcast %jit3A_293 : i32 to vector<128x2048xi32>
    %select_n3A_295 = arith.select %eq3A_292, %iota3A, %broadcast_in_dim3A_294 : vector<128x2048xi1>, vector<128x2048xi32>
    %reduce_min3A_296 = arith.constant dense<2147483647> : vector<128xi32>
    %reduce_min3A_297 = vector.multi_reduction <minsi>, %select_n3A_295, %reduce_min3A_296 [1] : vector<128x2048xi32> to vector<128xi32>
    %broadcast_in_dim3A_298 = vector.shape_cast %reduce_min3A_297 : vector<128xi32> to vector<128x1xi32>
    %le3A_299 = arith.constant 4.000000e+00 : f32
    %le3A_300 = vector.broadcast %le3A_299 : f32 to vector<128x1xf32>
    %le3A_301 = arith.cmpf ole, %broadcast_in_dim3A_290, %le3A_300 : vector<128x1xf32>
    %select_n3A_302 = arith.select %le3A_301, %broadcast_in_dim3A_298, %broadcast_in_dim3A_169 : vector<128x1xi1>, vector<128x1xi32>
    %swap3A_303 = arith.constant 0 : index
    %swap3A_304 = arith.constant 0 : index
    %swap3A_305 = arith.constant 0 : index
    %swap3A_306 = arith.constant 5 : index
    %swap3A_307 = vector.load %arg5[%swap3A_303, %swap3A_304, %swap3A_305, %swap3A_306] : memref<1x1x128x16xi32, #tpu.memory_space<vmem>>, vector<1x1x128x1xi32>
    %swap3A_308 = vector.shape_cast %swap3A_307 : vector<1x1x128x1xi32> to vector<128x1xi32>
    %swap3A_309 = vector.shape_cast %select_n3A_302 : vector<128x1xi32> to vector<1x1x128x1xi32>
    tpu.vector_store %arg5[%swap3A_303, %swap3A_304, %swap3A_305, %swap3A_306], %swap3A_309 {strides = array<i32>} : memref<1x1x128x16xi32, #tpu.memory_space<vmem>>, vector<1x1x128x1xi32>,
    %eq3A_310 = vector.broadcast %broadcast_in_dim3A_298 : vector<128x1xi32> to vector<128x2048xi32>
    %eq3A_311 = arith.cmpi eq, %iota3A, %eq3A_310 : vector<128x2048xi32>
    %jit3A_312 = arith.constant 0x7F800000 : f32
    %broadcast_in_dim3A_313 = vector.broadcast %jit3A_312 : f32 to vector<128x2048xf32>
    %select_n3A_314 = arith.select %eq3A_311, %broadcast_in_dim3A_313, %select_n3A_287 : vector<128x2048xi1>, vector<128x2048xf32>
    %reduce_min3A_315 = arith.constant dense<0x7F800000> : vector<128xf32>
    %reduce_min3A_316 = vector.multi_reduction <minimumf>, %select_n3A_314, %reduce_min3A_315 [1] : vector<128x2048xf32> to vector<128xf32>
    %broadcast_in_dim3A_317 = vector.shape_cast %reduce_min3A_316 : vector<128xf32> to vector<128x1xf32>
    %eq3A_318 = vector.broadcast %broadcast_in_dim3A_317 : vector<128x1xf32> to vector<128x2048xf32>
    %eq3A_319 = arith.cmpf oeq, %select_n3A_314, %eq3A_318 : vector<128x2048xf32>
    %jit3A_320 = arith.constant 2048 : i32
    %broadcast_in_dim3A_321 = vector.broadcast %jit3A_320 : i32 to vector<128x2048xi32>
    %select_n3A_322 = arith.select %eq3A_319, %iota3A, %broadcast_in_dim3A_321 : vector<128x2048xi1>, vector<128x2048xi32>
    %reduce_min3A_323 = arith.constant dense<2147483647> : vector<128xi32>
    %reduce_min3A_324 = vector.multi_reduction <minsi>, %select_n3A_322, %reduce_min3A_323 [1] : vector<128x2048xi32> to vector<128xi32>
    %broadcast_in_dim3A_325 = vector.shape_cast %reduce_min3A_324 : vector<128xi32> to vector<128x1xi32>
    %le3A_326 = arith.constant 4.000000e+00 : f32
    %le3A_327 = vector.broadcast %le3A_326 : f32 to vector<128x1xf32>
    %le3A_328 = arith.cmpf ole, %broadcast_in_dim3A_317, %le3A_327 : vector<128x1xf32>
    %select_n3A_329 = arith.select %le3A_328, %broadcast_in_dim3A_325, %broadcast_in_dim3A_169 : vector<128x1xi1>, vector<128x1xi32>
    %swap3A_330 = arith.constant 0 : index
    %swap3A_331 = arith.constant 0 : index
    %swap3A_332 = arith.constant 0 : index
    %swap3A_333 = arith.constant 6 : index
    %swap3A_334 = vector.load %arg5[%swap3A_330, %swap3A_331, %swap3A_332, %swap3A_333] : memref<1x1x128x16xi32, #tpu.memory_space<vmem>>, vector<1x1x128x1xi32>
    %swap3A_335 = vector.shape_cast %swap3A_334 : vector<1x1x128x1xi32> to vector<128x1xi32>
    %swap3A_336 = vector.shape_cast %select_n3A_329 : vector<128x1xi32> to vector<1x1x128x1xi32>
    tpu.vector_store %arg5[%swap3A_330, %swap3A_331, %swap3A_332, %swap3A_333], %swap3A_336 {strides = array<i32>} : memref<1x1x128x16xi32, #tpu.memory_space<vmem>>, vector<1x1x128x1xi32>,
    %eq3A_337 = vector.broadcast %broadcast_in_dim3A_325 : vector<128x1xi32> to vector<128x2048xi32>
    %eq3A_338 = arith.cmpi eq, %iota3A, %eq3A_337 : vector<128x2048xi32>
    %jit3A_339 = arith.constant 0x7F800000 : f32
    %broadcast_in_dim3A_340 = vector.broadcast %jit3A_339 : f32 to vector<128x2048xf32>
    %select_n3A_341 = arith.select %eq3A_338, %broadcast_in_dim3A_340, %select_n3A_314 : vector<128x2048xi1>, vector<128x2048xf32>
    %reduce_min3A_342 = arith.constant dense<0x7F800000> : vector<128xf32>
    %reduce_min3A_343 = vector.multi_reduction <minimumf>, %select_n3A_341, %reduce_min3A_342 [1] : vector<128x2048xf32> to vector<128xf32>
    %broadcast_in_dim3A_344 = vector.shape_cast %reduce_min3A_343 : vector<128xf32> to vector<128x1xf32>
    %eq3A_345 = vector.broadcast %broadcast_in_dim3A_344 : vector<128x1xf32> to vector<128x2048xf32>
    %eq3A_346 = arith.cmpf oeq, %select_n3A_341, %eq3A_345 : vector<128x2048xf32>
    %jit3A_347 = arith.constant 2048 : i32
    %broadcast_in_dim3A_348 = vector.broadcast %jit3A_347 : i32 to vector<128x2048xi32>
    %select_n3A_349 = arith.select %eq3A_346, %iota3A, %broadcast_in_dim3A_348 : vector<128x2048xi1>, vector<128x2048xi32>
    %reduce_min3A_350 = arith.constant dense<2147483647> : vector<128xi32>
    %reduce_min3A_351 = vector.multi_reduction <minsi>, %select_n3A_349, %reduce_min3A_350 [1] : vector<128x2048xi32> to vector<128xi32>
    %broadcast_in_dim3A_352 = vector.shape_cast %reduce_min3A_351 : vector<128xi32> to vector<128x1xi32>
    %le3A_353 = arith.constant 4.000000e+00 : f32
    %le3A_354 = vector.broadcast %le3A_353 : f32 to vector<128x1xf32>
    %le3A_355 = arith.cmpf ole, %broadcast_in_dim3A_344, %le3A_354 : vector<128x1xf32>
    %select_n3A_356 = arith.select %le3A_355, %broadcast_in_dim3A_352, %broadcast_in_dim3A_169 : vector<128x1xi1>, vector<128x1xi32>
    %swap3A_357 = arith.constant 0 : index
    %swap3A_358 = arith.constant 0 : index
    %swap3A_359 = arith.constant 0 : index
    %swap3A_360 = arith.constant 7 : index
    %swap3A_361 = vector.load %arg5[%swap3A_357, %swap3A_358, %swap3A_359, %swap3A_360] : memref<1x1x128x16xi32, #tpu.memory_space<vmem>>, vector<1x1x128x1xi32>
    %swap3A_362 = vector.shape_cast %swap3A_361 : vector<1x1x128x1xi32> to vector<128x1xi32>
    %swap3A_363 = vector.shape_cast %select_n3A_356 : vector<128x1xi32> to vector<1x1x128x1xi32>
    tpu.vector_store %arg5[%swap3A_357, %swap3A_358, %swap3A_359, %swap3A_360], %swap3A_363 {strides = array<i32>} : memref<1x1x128x16xi32, #tpu.memory_space<vmem>>, vector<1x1x128x1xi32>,
    %eq3A_364 = vector.broadcast %broadcast_in_dim3A_352 : vector<128x1xi32> to vector<128x2048xi32>
    %eq3A_365 = arith.cmpi eq, %iota3A, %eq3A_364 : vector<128x2048xi32>
    %jit3A_366 = arith.constant 0x7F800000 : f32
    %broadcast_in_dim3A_367 = vector.broadcast %jit3A_366 : f32 to vector<128x2048xf32>
    %select_n3A_368 = arith.select %eq3A_365, %broadcast_in_dim3A_367, %select_n3A_341 : vector<128x2048xi1>, vector<128x2048xf32>
    %reduce_min3A_369 = arith.constant dense<0x7F800000> : vector<128xf32>
    %reduce_min3A_370 = vector.multi_reduction <minimumf>, %select_n3A_368, %reduce_min3A_369 [1] : vector<128x2048xf32> to vector<128xf32>
    %broadcast_in_dim3A_371 = vector.shape_cast %reduce_min3A_370 : vector<128xf32> to vector<128x1xf32>
    %eq3A_372 = vector.broadcast %broadcast_in_dim3A_371 : vector<128x1xf32> to vector<128x2048xf32>
    %eq3A_373 = arith.cmpf oeq, %select_n3A_368, %eq3A_372 : vector<128x2048xf32>
    %jit3A_374 = arith.constant 2048 : i32
    %broadcast_in_dim3A_375 = vector.broadcast %jit3A_374 : i32 to vector<128x2048xi32>
    %select_n3A_376 = arith.select %eq3A_373, %iota3A, %broadcast_in_dim3A_375 : vector<128x2048xi1>, vector<128x2048xi32>
    %reduce_min3A_377 = arith.constant dense<2147483647> : vector<128xi32>
    %reduce_min3A_378 = vector.multi_reduction <minsi>, %select_n3A_376, %reduce_min3A_377 [1] : vector<128x2048xi32> to vector<128xi32>
    %broadcast_in_dim3A_379 = vector.shape_cast %reduce_min3A_378 : vector<128xi32> to vector<128x1xi32>
    %le3A_380 = arith.constant 4.000000e+00 : f32
    %le3A_381 = vector.broadcast %le3A_380 : f32 to vector<128x1xf32>
    %le3A_382 = arith.cmpf ole, %broadcast_in_dim3A_371, %le3A_381 : vector<128x1xf32>
    %select_n3A_383 = arith.select %le3A_382, %broadcast_in_dim3A_379, %broadcast_in_dim3A_169 : vector<128x1xi1>, vector<128x1xi32>
    %swap3A_384 = arith.constant 0 : index
    %swap3A_385 = arith.constant 0 : index
    %swap3A_386 = arith.constant 0 : index
    %swap3A_387 = arith.constant 8 : index
    %swap3A_388 = vector.load %arg5[%swap3A_384, %swap3A_385, %swap3A_386, %swap3A_387] : memref<1x1x128x16xi32, #tpu.memory_space<vmem>>, vector<1x1x128x1xi32>
    %swap3A_389 = vector.shape_cast %swap3A_388 : vector<1x1x128x1xi32> to vector<128x1xi32>
    %swap3A_390 = vector.shape_cast %select_n3A_383 : vector<128x1xi32> to vector<1x1x128x1xi32>
    tpu.vector_store %arg5[%swap3A_384, %swap3A_385, %swap3A_386, %swap3A_387], %swap3A_390 {strides = array<i32>} : memref<1x1x128x16xi32, #tpu.memory_space<vmem>>, vector<1x1x128x1xi32>,
    %eq3A_391 = vector.broadcast %broadcast_in_dim3A_379 : vector<128x1xi32> to vector<128x2048xi32>
    %eq3A_392 = arith.cmpi eq, %iota3A, %eq3A_391 : vector<128x2048xi32>
    %jit3A_393 = arith.constant 0x7F800000 : f32
    %broadcast_in_dim3A_394 = vector.broadcast %jit3A_393 : f32 to vector<128x2048xf32>
    %select_n3A_395 = arith.select %eq3A_392, %broadcast_in_dim3A_394, %select_n3A_368 : vector<128x2048xi1>, vector<128x2048xf32>
    %reduce_min3A_396 = arith.constant dense<0x7F800000> : vector<128xf32>
    %reduce_min3A_397 = vector.multi_reduction <minimumf>, %select_n3A_395, %reduce_min3A_396 [1] : vector<128x2048xf32> to vector<128xf32>
    %broadcast_in_dim3A_398 = vector.shape_cast %reduce_min3A_397 : vector<128xf32> to vector<128x1xf32>
    %eq3A_399 = vector.broadcast %broadcast_in_dim3A_398 : vector<128x1xf32> to vector<128x2048xf32>
    %eq3A_400 = arith.cmpf oeq, %select_n3A_395, %eq3A_399 : vector<128x2048xf32>
    %jit3A_401 = arith.constant 2048 : i32
    %broadcast_in_dim3A_402 = vector.broadcast %jit3A_401 : i32 to vector<128x2048xi32>
    %select_n3A_403 = arith.select %eq3A_400, %iota3A, %broadcast_in_dim3A_402 : vector<128x2048xi1>, vector<128x2048xi32>
    %reduce_min3A_404 = arith.constant dense<2147483647> : vector<128xi32>
    %reduce_min3A_405 = vector.multi_reduction <minsi>, %select_n3A_403, %reduce_min3A_404 [1] : vector<128x2048xi32> to vector<128xi32>
    %broadcast_in_dim3A_406 = vector.shape_cast %reduce_min3A_405 : vector<128xi32> to vector<128x1xi32>
    %le3A_407 = arith.constant 4.000000e+00 : f32
    %le3A_408 = vector.broadcast %le3A_407 : f32 to vector<128x1xf32>
    %le3A_409 = arith.cmpf ole, %broadcast_in_dim3A_398, %le3A_408 : vector<128x1xf32>
    %select_n3A_410 = arith.select %le3A_409, %broadcast_in_dim3A_406, %broadcast_in_dim3A_169 : vector<128x1xi1>, vector<128x1xi32>
    %swap3A_411 = arith.constant 0 : index
    %swap3A_412 = arith.constant 0 : index
    %swap3A_413 = arith.constant 0 : index
    %swap3A_414 = arith.constant 9 : index
    %swap3A_415 = vector.load %arg5[%swap3A_411, %swap3A_412, %swap3A_413, %swap3A_414] : memref<1x1x128x16xi32, #tpu.memory_space<vmem>>, vector<1x1x128x1xi32>
    %swap3A_416 = vector.shape_cast %swap3A_415 : vector<1x1x128x1xi32> to vector<128x1xi32>
    %swap3A_417 = vector.shape_cast %select_n3A_410 : vector<128x1xi32> to vector<1x1x128x1xi32>
    tpu.vector_store %arg5[%swap3A_411, %swap3A_412, %swap3A_413, %swap3A_414], %swap3A_417 {strides = array<i32>} : memref<1x1x128x16xi32, #tpu.memory_space<vmem>>, vector<1x1x128x1xi32>,
    %eq3A_418 = vector.broadcast %broadcast_in_dim3A_406 : vector<128x1xi32> to vector<128x2048xi32>
    %eq3A_419 = arith.cmpi eq, %iota3A, %eq3A_418 : vector<128x2048xi32>
    %jit3A_420 = arith.constant 0x7F800000 : f32
    %broadcast_in_dim3A_421 = vector.broadcast %jit3A_420 : f32 to vector<128x2048xf32>
    %select_n3A_422 = arith.select %eq3A_419, %broadcast_in_dim3A_421, %select_n3A_395 : vector<128x2048xi1>, vector<128x2048xf32>
    %reduce_min3A_423 = arith.constant dense<0x7F800000> : vector<128xf32>
    %reduce_min3A_424 = vector.multi_reduction <minimumf>, %select_n3A_422, %reduce_min3A_423 [1] : vector<128x2048xf32> to vector<128xf32>
    %broadcast_in_dim3A_425 = vector.shape_cast %reduce_min3A_424 : vector<128xf32> to vector<128x1xf32>
    %eq3A_426 = vector.broadcast %broadcast_in_dim3A_425 : vector<128x1xf32> to vector<128x2048xf32>
    %eq3A_427 = arith.cmpf oeq, %select_n3A_422, %eq3A_426 : vector<128x2048xf32>
    %jit3A_428 = arith.constant 2048 : i32
    %broadcast_in_dim3A_429 = vector.broadcast %jit3A_428 : i32 to vector<128x2048xi32>
    %select_n3A_430 = arith.select %eq3A_427, %iota3A, %broadcast_in_dim3A_429 : vector<128x2048xi1>, vector<128x2048xi32>
    %reduce_min3A_431 = arith.constant dense<2147483647> : vector<128xi32>
    %reduce_min3A_432 = vector.multi_reduction <minsi>, %select_n3A_430, %reduce_min3A_431 [1] : vector<128x2048xi32> to vector<128xi32>
    %broadcast_in_dim3A_433 = vector.shape_cast %reduce_min3A_432 : vector<128xi32> to vector<128x1xi32>
    %le3A_434 = arith.constant 4.000000e+00 : f32
    %le3A_435 = vector.broadcast %le3A_434 : f32 to vector<128x1xf32>
    %le3A_436 = arith.cmpf ole, %broadcast_in_dim3A_425, %le3A_435 : vector<128x1xf32>
    %select_n3A_437 = arith.select %le3A_436, %broadcast_in_dim3A_433, %broadcast_in_dim3A_169 : vector<128x1xi1>, vector<128x1xi32>
    %swap3A_438 = arith.constant 0 : index
    %swap3A_439 = arith.constant 0 : index
    %swap3A_440 = arith.constant 0 : index
    %swap3A_441 = arith.constant 10 : index
    %swap3A_442 = vector.load %arg5[%swap3A_438, %swap3A_439, %swap3A_440, %swap3A_441] : memref<1x1x128x16xi32, #tpu.memory_space<vmem>>, vector<1x1x128x1xi32>
    %swap3A_443 = vector.shape_cast %swap3A_442 : vector<1x1x128x1xi32> to vector<128x1xi32>
    %swap3A_444 = vector.shape_cast %select_n3A_437 : vector<128x1xi32> to vector<1x1x128x1xi32>
    tpu.vector_store %arg5[%swap3A_438, %swap3A_439, %swap3A_440, %swap3A_441], %swap3A_444 {strides = array<i32>} : memref<1x1x128x16xi32, #tpu.memory_space<vmem>>, vector<1x1x128x1xi32>,
    %eq3A_445 = vector.broadcast %broadcast_in_dim3A_433 : vector<128x1xi32> to vector<128x2048xi32>
    %eq3A_446 = arith.cmpi eq, %iota3A, %eq3A_445 : vector<128x2048xi32>
    %jit3A_447 = arith.constant 0x7F800000 : f32
    %broadcast_in_dim3A_448 = vector.broadcast %jit3A_447 : f32 to vector<128x2048xf32>
    %select_n3A_449 = arith.select %eq3A_446, %broadcast_in_dim3A_448, %select_n3A_422 : vector<128x2048xi1>, vector<128x2048xf32>
    %reduce_min3A_450 = arith.constant dense<0x7F800000> : vector<128xf32>
    %reduce_min3A_451 = vector.multi_reduction <minimumf>, %select_n3A_449, %reduce_min3A_450 [1] : vector<128x2048xf32> to vector<128xf32>
    %broadcast_in_dim3A_452 = vector.shape_cast %reduce_min3A_451 : vector<128xf32> to vector<128x1xf32>
    %eq3A_453 = vector.broadcast %broadcast_in_dim3A_452 : vector<128x1xf32> to vector<128x2048xf32>
    %eq3A_454 = arith.cmpf oeq, %select_n3A_449, %eq3A_453 : vector<128x2048xf32>
    %jit3A_455 = arith.constant 2048 : i32
    %broadcast_in_dim3A_456 = vector.broadcast %jit3A_455 : i32 to vector<128x2048xi32>
    %select_n3A_457 = arith.select %eq3A_454, %iota3A, %broadcast_in_dim3A_456 : vector<128x2048xi1>, vector<128x2048xi32>
    %reduce_min3A_458 = arith.constant dense<2147483647> : vector<128xi32>
    %reduce_min3A_459 = vector.multi_reduction <minsi>, %select_n3A_457, %reduce_min3A_458 [1] : vector<128x2048xi32> to vector<128xi32>
    %broadcast_in_dim3A_460 = vector.shape_cast %reduce_min3A_459 : vector<128xi32> to vector<128x1xi32>
    %le3A_461 = arith.constant 4.000000e+00 : f32
    %le3A_462 = vector.broadcast %le3A_461 : f32 to vector<128x1xf32>
    %le3A_463 = arith.cmpf ole, %broadcast_in_dim3A_452, %le3A_462 : vector<128x1xf32>
    %select_n3A_464 = arith.select %le3A_463, %broadcast_in_dim3A_460, %broadcast_in_dim3A_169 : vector<128x1xi1>, vector<128x1xi32>
    %swap3A_465 = arith.constant 0 : index
    %swap3A_466 = arith.constant 0 : index
    %swap3A_467 = arith.constant 0 : index
    %swap3A_468 = arith.constant 11 : index
    %swap3A_469 = vector.load %arg5[%swap3A_465, %swap3A_466, %swap3A_467, %swap3A_468] : memref<1x1x128x16xi32, #tpu.memory_space<vmem>>, vector<1x1x128x1xi32>
    %swap3A_470 = vector.shape_cast %swap3A_469 : vector<1x1x128x1xi32> to vector<128x1xi32>
    %swap3A_471 = vector.shape_cast %select_n3A_464 : vector<128x1xi32> to vector<1x1x128x1xi32>
    tpu.vector_store %arg5[%swap3A_465, %swap3A_466, %swap3A_467, %swap3A_468], %swap3A_471 {strides = array<i32>} : memref<1x1x128x16xi32, #tpu.memory_space<vmem>>, vector<1x1x128x1xi32>,
    %eq3A_472 = vector.broadcast %broadcast_in_dim3A_460 : vector<128x1xi32> to vector<128x2048xi32>
    %eq3A_473 = arith.cmpi eq, %iota3A, %eq3A_472 : vector<128x2048xi32>
    %jit3A_474 = arith.constant 0x7F800000 : f32
    %broadcast_in_dim3A_475 = vector.broadcast %jit3A_474 : f32 to vector<128x2048xf32>
    %select_n3A_476 = arith.select %eq3A_473, %broadcast_in_dim3A_475, %select_n3A_449 : vector<128x2048xi1>, vector<128x2048xf32>
    %reduce_min3A_477 = arith.constant dense<0x7F800000> : vector<128xf32>
    %reduce_min3A_478 = vector.multi_reduction <minimumf>, %select_n3A_476, %reduce_min3A_477 [1] : vector<128x2048xf32> to vector<128xf32>
    %broadcast_in_dim3A_479 = vector.shape_cast %reduce_min3A_478 : vector<128xf32> to vector<128x1xf32>
    %eq3A_480 = vector.broadcast %broadcast_in_dim3A_479 : vector<128x1xf32> to vector<128x2048xf32>
    %eq3A_481 = arith.cmpf oeq, %select_n3A_476, %eq3A_480 : vector<128x2048xf32>
    %jit3A_482 = arith.constant 2048 : i32
    %broadcast_in_dim3A_483 = vector.broadcast %jit3A_482 : i32 to vector<128x2048xi32>
    %select_n3A_484 = arith.select %eq3A_481, %iota3A, %broadcast_in_dim3A_483 : vector<128x2048xi1>, vector<128x2048xi32>
    %reduce_min3A_485 = arith.constant dense<2147483647> : vector<128xi32>
    %reduce_min3A_486 = vector.multi_reduction <minsi>, %select_n3A_484, %reduce_min3A_485 [1] : vector<128x2048xi32> to vector<128xi32>
    %broadcast_in_dim3A_487 = vector.shape_cast %reduce_min3A_486 : vector<128xi32> to vector<128x1xi32>
    %le3A_488 = arith.constant 4.000000e+00 : f32
    %le3A_489 = vector.broadcast %le3A_488 : f32 to vector<128x1xf32>
    %le3A_490 = arith.cmpf ole, %broadcast_in_dim3A_479, %le3A_489 : vector<128x1xf32>
    %select_n3A_491 = arith.select %le3A_490, %broadcast_in_dim3A_487, %broadcast_in_dim3A_169 : vector<128x1xi1>, vector<128x1xi32>
    %swap3A_492 = arith.constant 0 : index
    %swap3A_493 = arith.constant 0 : index
    %swap3A_494 = arith.constant 0 : index
    %swap3A_495 = arith.constant 12 : index
    %swap3A_496 = vector.load %arg5[%swap3A_492, %swap3A_493, %swap3A_494, %swap3A_495] : memref<1x1x128x16xi32, #tpu.memory_space<vmem>>, vector<1x1x128x1xi32>
    %swap3A_497 = vector.shape_cast %swap3A_496 : vector<1x1x128x1xi32> to vector<128x1xi32>
    %swap3A_498 = vector.shape_cast %select_n3A_491 : vector<128x1xi32> to vector<1x1x128x1xi32>
    tpu.vector_store %arg5[%swap3A_492, %swap3A_493, %swap3A_494, %swap3A_495], %swap3A_498 {strides = array<i32>} : memref<1x1x128x16xi32, #tpu.memory_space<vmem>>, vector<1x1x128x1xi32>,
    %eq3A_499 = vector.broadcast %broadcast_in_dim3A_487 : vector<128x1xi32> to vector<128x2048xi32>
    %eq3A_500 = arith.cmpi eq, %iota3A, %eq3A_499 : vector<128x2048xi32>
    %jit3A_501 = arith.constant 0x7F800000 : f32
    %broadcast_in_dim3A_502 = vector.broadcast %jit3A_501 : f32 to vector<128x2048xf32>
    %select_n3A_503 = arith.select %eq3A_500, %broadcast_in_dim3A_502, %select_n3A_476 : vector<128x2048xi1>, vector<128x2048xf32>
    %reduce_min3A_504 = arith.constant dense<0x7F800000> : vector<128xf32>
    %reduce_min3A_505 = vector.multi_reduction <minimumf>, %select_n3A_503, %reduce_min3A_504 [1] : vector<128x2048xf32> to vector<128xf32>
    %broadcast_in_dim3A_506 = vector.shape_cast %reduce_min3A_505 : vector<128xf32> to vector<128x1xf32>
    %eq3A_507 = vector.broadcast %broadcast_in_dim3A_506 : vector<128x1xf32> to vector<128x2048xf32>
    %eq3A_508 = arith.cmpf oeq, %select_n3A_503, %eq3A_507 : vector<128x2048xf32>
    %jit3A_509 = arith.constant 2048 : i32
    %broadcast_in_dim3A_510 = vector.broadcast %jit3A_509 : i32 to vector<128x2048xi32>
    %select_n3A_511 = arith.select %eq3A_508, %iota3A, %broadcast_in_dim3A_510 : vector<128x2048xi1>, vector<128x2048xi32>
    %reduce_min3A_512 = arith.constant dense<2147483647> : vector<128xi32>
    %reduce_min3A_513 = vector.multi_reduction <minsi>, %select_n3A_511, %reduce_min3A_512 [1] : vector<128x2048xi32> to vector<128xi32>
    %broadcast_in_dim3A_514 = vector.shape_cast %reduce_min3A_513 : vector<128xi32> to vector<128x1xi32>
    %le3A_515 = arith.constant 4.000000e+00 : f32
    %le3A_516 = vector.broadcast %le3A_515 : f32 to vector<128x1xf32>
    %le3A_517 = arith.cmpf ole, %broadcast_in_dim3A_506, %le3A_516 : vector<128x1xf32>
    %select_n3A_518 = arith.select %le3A_517, %broadcast_in_dim3A_514, %broadcast_in_dim3A_169 : vector<128x1xi1>, vector<128x1xi32>
    %swap3A_519 = arith.constant 0 : index
    %swap3A_520 = arith.constant 0 : index
    %swap3A_521 = arith.constant 0 : index
    %swap3A_522 = arith.constant 13 : index
    %swap3A_523 = vector.load %arg5[%swap3A_519, %swap3A_520, %swap3A_521, %swap3A_522] : memref<1x1x128x16xi32, #tpu.memory_space<vmem>>, vector<1x1x128x1xi32>
    %swap3A_524 = vector.shape_cast %swap3A_523 : vector<1x1x128x1xi32> to vector<128x1xi32>
    %swap3A_525 = vector.shape_cast %select_n3A_518 : vector<128x1xi32> to vector<1x1x128x1xi32>
    tpu.vector_store %arg5[%swap3A_519, %swap3A_520, %swap3A_521, %swap3A_522], %swap3A_525 {strides = array<i32>} : memref<1x1x128x16xi32, #tpu.memory_space<vmem>>, vector<1x1x128x1xi32>,
    %eq3A_526 = vector.broadcast %broadcast_in_dim3A_514 : vector<128x1xi32> to vector<128x2048xi32>
    %eq3A_527 = arith.cmpi eq, %iota3A, %eq3A_526 : vector<128x2048xi32>
    %jit3A_528 = arith.constant 0x7F800000 : f32
    %broadcast_in_dim3A_529 = vector.broadcast %jit3A_528 : f32 to vector<128x2048xf32>
    %select_n3A_530 = arith.select %eq3A_527, %broadcast_in_dim3A_529, %select_n3A_503 : vector<128x2048xi1>, vector<128x2048xf32>
    %reduce_min3A_531 = arith.constant dense<0x7F800000> : vector<128xf32>
    %reduce_min3A_532 = vector.multi_reduction <minimumf>, %select_n3A_530, %reduce_min3A_531 [1] : vector<128x2048xf32> to vector<128xf32>
    %broadcast_in_dim3A_533 = vector.shape_cast %reduce_min3A_532 : vector<128xf32> to vector<128x1xf32>
    %eq3A_534 = vector.broadcast %broadcast_in_dim3A_533 : vector<128x1xf32> to vector<128x2048xf32>
    %eq3A_535 = arith.cmpf oeq, %select_n3A_530, %eq3A_534 : vector<128x2048xf32>
    %jit3A_536 = arith.constant 2048 : i32
    %broadcast_in_dim3A_537 = vector.broadcast %jit3A_536 : i32 to vector<128x2048xi32>
    %select_n3A_538 = arith.select %eq3A_535, %iota3A, %broadcast_in_dim3A_537 : vector<128x2048xi1>, vector<128x2048xi32>
    %reduce_min3A_539 = arith.constant dense<2147483647> : vector<128xi32>
    %reduce_min3A_540 = vector.multi_reduction <minsi>, %select_n3A_538, %reduce_min3A_539 [1] : vector<128x2048xi32> to vector<128xi32>
    %broadcast_in_dim3A_541 = vector.shape_cast %reduce_min3A_540 : vector<128xi32> to vector<128x1xi32>
    %le3A_542 = arith.constant 4.000000e+00 : f32
    %le3A_543 = vector.broadcast %le3A_542 : f32 to vector<128x1xf32>
    %le3A_544 = arith.cmpf ole, %broadcast_in_dim3A_533, %le3A_543 : vector<128x1xf32>
    %select_n3A_545 = arith.select %le3A_544, %broadcast_in_dim3A_541, %broadcast_in_dim3A_169 : vector<128x1xi1>, vector<128x1xi32>
    %swap3A_546 = arith.constant 0 : index
    %swap3A_547 = arith.constant 0 : index
    %swap3A_548 = arith.constant 0 : index
    %swap3A_549 = arith.constant 14 : index
    %swap3A_550 = vector.load %arg5[%swap3A_546, %swap3A_547, %swap3A_548, %swap3A_549] : memref<1x1x128x16xi32, #tpu.memory_space<vmem>>, vector<1x1x128x1xi32>
    %swap3A_551 = vector.shape_cast %swap3A_550 : vector<1x1x128x1xi32> to vector<128x1xi32>
    %swap3A_552 = vector.shape_cast %select_n3A_545 : vector<128x1xi32> to vector<1x1x128x1xi32>
    tpu.vector_store %arg5[%swap3A_546, %swap3A_547, %swap3A_548, %swap3A_549], %swap3A_552 {strides = array<i32>} : memref<1x1x128x16xi32, #tpu.memory_space<vmem>>, vector<1x1x128x1xi32>,
    %eq3A_553 = vector.broadcast %broadcast_in_dim3A_541 : vector<128x1xi32> to vector<128x2048xi32>
    %eq3A_554 = arith.cmpi eq, %iota3A, %eq3A_553 : vector<128x2048xi32>
    %jit3A_555 = arith.constant 0x7F800000 : f32
    %broadcast_in_dim3A_556 = vector.broadcast %jit3A_555 : f32 to vector<128x2048xf32>
    %select_n3A_557 = arith.select %eq3A_554, %broadcast_in_dim3A_556, %select_n3A_530 : vector<128x2048xi1>, vector<128x2048xf32>
    %reduce_min3A_558 = arith.constant dense<0x7F800000> : vector<128xf32>
    %reduce_min3A_559 = vector.multi_reduction <minimumf>, %select_n3A_557, %reduce_min3A_558 [1] : vector<128x2048xf32> to vector<128xf32>
    %broadcast_in_dim3A_560 = vector.shape_cast %reduce_min3A_559 : vector<128xf32> to vector<128x1xf32>
    %eq3A_561 = vector.broadcast %broadcast_in_dim3A_560 : vector<128x1xf32> to vector<128x2048xf32>
    %eq3A_562 = arith.cmpf oeq, %select_n3A_557, %eq3A_561 : vector<128x2048xf32>
    %jit3A_563 = arith.constant 2048 : i32
    %broadcast_in_dim3A_564 = vector.broadcast %jit3A_563 : i32 to vector<128x2048xi32>
    %select_n3A_565 = arith.select %eq3A_562, %iota3A, %broadcast_in_dim3A_564 : vector<128x2048xi1>, vector<128x2048xi32>
    %reduce_min3A_566 = arith.constant dense<2147483647> : vector<128xi32>
    %reduce_min3A_567 = vector.multi_reduction <minsi>, %select_n3A_565, %reduce_min3A_566 [1] : vector<128x2048xi32> to vector<128xi32>
    %broadcast_in_dim3A_568 = vector.shape_cast %reduce_min3A_567 : vector<128xi32> to vector<128x1xi32>
    %le3A_569 = arith.constant 4.000000e+00 : f32
    %le3A_570 = vector.broadcast %le3A_569 : f32 to vector<128x1xf32>
    %le3A_571 = arith.cmpf ole, %broadcast_in_dim3A_560, %le3A_570 : vector<128x1xf32>
    %select_n3A_572 = arith.select %le3A_571, %broadcast_in_dim3A_568, %broadcast_in_dim3A_169 : vector<128x1xi1>, vector<128x1xi32>
    %swap3A_573 = arith.constant 0 : index
    %swap3A_574 = arith.constant 0 : index
    %swap3A_575 = arith.constant 0 : index
    %swap3A_576 = arith.constant 15 : index
    %swap3A_577 = vector.load %arg5[%swap3A_573, %swap3A_574, %swap3A_575, %swap3A_576] : memref<1x1x128x16xi32, #tpu.memory_space<vmem>>, vector<1x1x128x1xi32>
    %swap3A_578 = vector.shape_cast %swap3A_577 : vector<1x1x128x1xi32> to vector<128x1xi32>
    %swap3A_579 = vector.shape_cast %select_n3A_572 : vector<128x1xi32> to vector<1x1x128x1xi32>
    tpu.vector_store %arg5[%swap3A_573, %swap3A_574, %swap3A_575, %swap3A_576], %swap3A_579 {strides = array<i32>} : memref<1x1x128x16xi32, #tpu.memory_space<vmem>>, vector<1x1x128x1xi32>,
    %swap3A_580 = arith.constant 0 : index
    %swap3A_581 = arith.constant 0 : index
    %swap3A_582 = arith.constant 0 : index
    %swap3A_583 = arith.constant 0 : index
    %swap3A_584 = vector.load %arg6[%swap3A_580, %swap3A_581, %swap3A_582, %swap3A_583] : memref<1x1x128x8xf32, #tpu.memory_space<vmem>>, vector<1x1x128x8xf32>
    %swap3A_585 = vector.shape_cast %swap3A_584 : vector<1x1x128x8xf32> to vector<128x8xf32>
    %swap3A_586 = vector.shape_cast %add3A_113 : vector<128x8xf32> to vector<1x1x128x8xf32>
    tpu.vector_store %arg6[%swap3A_580, %swap3A_581, %swap3A_582, %swap3A_583], %swap3A_586 {strides = array<i32>} : memref<1x1x128x8xf32, #tpu.memory_space<vmem>>, vector<1x1x128x8xf32>,
    return
  }
  func.func @transform_0(%arg0: i32, %arg1: i32) -> (i32, i32, i32) {
    %c0_i32 = arith.constant 0 : i32
    %c0_i32_0 = arith.constant 0 : i32
    %c0_i32_1 = arith.constant 0 : i32
    return %arg0, %c0_i32, %c0_i32_0 : i32, i32, i32
  }
  func.func @transform_1(%arg0: i32, %arg1: i32) -> (i32, i32, i32) {
    %c0_i32 = arith.constant 0 : i32
    %c0_i32_0 = arith.constant 0 : i32
    %c0_i32_1 = arith.constant 0 : i32
    return %arg0, %c0_i32, %c0_i32_0 : i32, i32, i32
  }
  func.func @transform_2(%arg0: i32, %arg1: i32) -> (i32, i32, i32, i32) {
    %c0_i32 = arith.constant 0 : i32
    %c0_i32_0 = arith.constant 0 : i32
    %c0_i32_1 = arith.constant 0 : i32
    return %arg0, %arg1, %c0_i32, %c0_i32_0 : i32, i32, i32, i32
  }
  func.func @transform_3(%arg0: i32, %arg1: i32) -> (i32, i32, i32, i32) {
    %c0_i32 = arith.constant 0 : i32
    %c0_i32_0 = arith.constant 0 : i32
    %c0_i32_1 = arith.constant 0 : i32
    return %arg0, %arg1, %c0_i32, %c0_i32_0 : i32, i32, i32, i32
  }
  func.func @transform_4(%arg0: i32, %arg1: i32) -> (i32, i32, i32, i32) {
    %c0_i32 = arith.constant 0 : i32
    %c0_i32_0 = arith.constant 0 : i32
    %c0_i32_1 = arith.constant 0 : i32
    return %arg0, %arg1, %c0_i32, %c0_i32_0 : i32, i32, i32, i32
  }
}

module attributes {stable_mosaic.version = 14 : i64} {
  func.func @_dense_kernel(%arg0: i32, %arg1: memref<4096x144xf32, #tpu.memory_space<vmem>>, %arg2: memref<256x8xf32, #tpu.memory_space<vmem>>, %arg3: memref<8x32xf32, #tpu.memory_space<vmem>>, %arg4: memref<1x32xf32, #tpu.memory_space<vmem>>, %arg5: memref<32x32xf32, #tpu.memory_space<vmem>>, %arg6: memref<1x32xf32, #tpu.memory_space<vmem>>, %arg7: memref<128x256xf32, #tpu.memory_space<vmem>>, %arg8: memref<1x256xf32, #tpu.memory_space<vmem>>, %arg9: memref<256x256xf32, #tpu.memory_space<vmem>>, %arg10: memref<1x256xf32, #tpu.memory_space<vmem>>, %arg11: memref<256x256xf32, #tpu.memory_space<vmem>>, %arg12: memref<1x256xf32, #tpu.memory_space<vmem>>, %arg13: memref<256x160xf32, #tpu.memory_space<vmem>>, %arg14: memref<1x160xf32, #tpu.memory_space<vmem>>, %arg15: memref<160x128xf32, #tpu.memory_space<vmem>>, %arg16: memref<1x128xf32, #tpu.memory_space<vmem>>, %arg17: memref<256x128xf32, #tpu.memory_space<vmem>>) attributes {dimension_semantics = [#tpu.dimension_semantics<arbitrary>], iteration_bounds = array<i64: 32>, scalar_prefetch = 0 : i64, scratch_operands = 0 : i64, tpu.core_type = #tpu.core_type<tc>, window_params = [{transform_indices = @transform_0, window_bounds = array<i64: 4096, 144>}, {transform_indices = @transform_1, window_bounds = array<i64: 256, 8>}, {pipeline_mode = #tpu.pipeline_mode<synchronous>, transform_indices = @transform_2, window_bounds = array<i64: 8, 32>}, {pipeline_mode = #tpu.pipeline_mode<synchronous>, transform_indices = @transform_3, window_bounds = array<i64: 1, 32>}, {pipeline_mode = #tpu.pipeline_mode<synchronous>, transform_indices = @transform_4, window_bounds = array<i64: 32, 32>}, {pipeline_mode = #tpu.pipeline_mode<synchronous>, transform_indices = @transform_5, window_bounds = array<i64: 1, 32>}, {pipeline_mode = #tpu.pipeline_mode<synchronous>, transform_indices = @transform_6, window_bounds = array<i64: 128, 256>}, {pipeline_mode = #tpu.pipeline_mode<synchronous>, transform_indices = @transform_7, window_bounds = array<i64: 1, 256>}, {pipeline_mode = #tpu.pipeline_mode<synchronous>, transform_indices = @transform_8, window_bounds = array<i64: 256, 256>}, {pipeline_mode = #tpu.pipeline_mode<synchronous>, transform_indices = @transform_9, window_bounds = array<i64: 1, 256>}, {pipeline_mode = #tpu.pipeline_mode<synchronous>, transform_indices = @transform_10, window_bounds = array<i64: 256, 256>}, {pipeline_mode = #tpu.pipeline_mode<synchronous>, transform_indices = @transform_11, window_bounds = array<i64: 1, 256>}, {pipeline_mode = #tpu.pipeline_mode<synchronous>, transform_indices = @transform_12, window_bounds = array<i64: 256, 160>}, {pipeline_mode = #tpu.pipeline_mode<synchronous>, transform_indices = @transform_13, window_bounds = array<i64: 1, 160>}, {pipeline_mode = #tpu.pipeline_mode<synchronous>, transform_indices = @transform_14, window_bounds = array<i64: 160, 128>}, {pipeline_mode = #tpu.pipeline_mode<synchronous>, transform_indices = @transform_15, window_bounds = array<i64: 1, 128>}, {transform_indices = @transform_16, window_bounds = array<i64: 256, 128>}]} {
    %get3A = arith.constant 0 : index
    %get3A_0 = arith.constant 0 : index
    %get3A_1 = vector.load %arg1[%get3A, %get3A_0] : memref<4096x144xf32, #tpu.memory_space<vmem>>, vector<4096x144xf32>
    %slice3A = vector.extract_strided_slice %get3A_1 {offsets = [0, 0], sizes = [4096, 128], strides = [1, 1]} : vector<4096x144xf32> to vector<4096x128xf32>
    %slice3A_2 = vector.extract_strided_slice %get3A_1 {offsets = [0, 128], sizes = [4096, 8], strides = [1, 1]} : vector<4096x144xf32> to vector<4096x8xf32>
    %get3A_3 = arith.constant 0 : index
    %get3A_4 = arith.constant 0 : index
    %get3A_5 = vector.load %arg2[%get3A_3, %get3A_4] : memref<256x8xf32, #tpu.memory_space<vmem>>, vector<256x8xf32>
    %broadcast_in_dim3A = vector.shape_cast %get3A_5 : vector<256x8xf32> to vector<256x1x8xf32>
    %broadcast_in_dim3A_6 = vector.shape_cast %broadcast_in_dim3A : vector<256x1x8xf32> to vector<256x1x8xf32>
    %broadcast_in_dim3A_7 = vector.broadcast %broadcast_in_dim3A_6 : vector<256x1x8xf32> to vector<256x16x8xf32>
    %reshape3A = vector.shape_cast %broadcast_in_dim3A_7 : vector<256x16x8xf32> to vector<4096x8xf32>
    %sub3A = arith.subf %slice3A_2, %reshape3A : vector<4096x8xf32>
    %get3A_8 = arith.constant 0 : index
    %get3A_9 = arith.constant 0 : index
    %get3A_10 = vector.load %arg3[%get3A_8, %get3A_9] : memref<8x32xf32, #tpu.memory_space<vmem>>, vector<8x32xf32>
    %dot_general3A = arith.constant dense<0.000000e+00> : vector<4096x32xf32>
    %dot_general3A_11 = tpu.matmul %sub3A, %get3A_10, %dot_general3A {dimension_numbers = #tpu.dot_dimension_numbers<[1], [0], [0], [1], [0, 0, 1, 1], [], []>, transpose_lhs_hint = false} : vector<4096x8xf32>, vector<8x32xf32>, vector<4096x32xf32> -> vector<4096x32xf32>
    %get3A_12 = arith.constant 0 : index
    %get3A_13 = arith.constant 0 : index
    %get3A_14 = vector.load %arg4[%get3A_12, %get3A_13] : memref<1x32xf32, #tpu.memory_space<vmem>>, vector<1x32xf32>
    %add3A = vector.broadcast %get3A_14 : vector<1x32xf32> to vector<4096x32xf32>
    %add3A_15 = arith.addf %dot_general3A_11, %add3A : vector<4096x32xf32>
    %gt3A = arith.constant 0.000000e+00 : f32
    %gt3A_16 = vector.broadcast %gt3A : f32 to vector<4096x32xf32>
    %gt3A_17 = arith.cmpf ogt, %add3A_15, %gt3A_16 : vector<4096x32xf32>
    %min3A = arith.constant 0.000000e+00 : f32
    %min3A_18 = vector.broadcast %min3A : f32 to vector<4096x32xf32>
    %min3A_19 = arith.minimumf %add3A_15, %min3A_18 : vector<4096x32xf32>
    %exp3A = math.exp %min3A_19 : vector<4096x32xf32>
    %sub3A_20 = arith.constant 1.000000e+00 : f32
    %sub3A_21 = vector.broadcast %sub3A_20 : f32 to vector<4096x32xf32>
    %sub3A_22 = arith.subf %exp3A, %sub3A_21 : vector<4096x32xf32>
    %select_n3A = arith.select %gt3A_17, %add3A_15, %sub3A_22 : vector<4096x32xi1>, vector<4096x32xf32>
    %get3A_23 = arith.constant 0 : index
    %get3A_24 = arith.constant 0 : index
    %get3A_25 = vector.load %arg5[%get3A_23, %get3A_24] : memref<32x32xf32, #tpu.memory_space<vmem>>, vector<32x32xf32>
    %dot_general3A_26 = arith.constant dense<0.000000e+00> : vector<4096x32xf32>
    %dot_general3A_27 = tpu.matmul %select_n3A, %get3A_25, %dot_general3A_26 {dimension_numbers = #tpu.dot_dimension_numbers<[1], [0], [0], [1], [0, 0, 1, 1], [], []>, transpose_lhs_hint = false} : vector<4096x32xf32>, vector<32x32xf32>, vector<4096x32xf32> -> vector<4096x32xf32>
    %get3A_28 = arith.constant 0 : index
    %get3A_29 = arith.constant 0 : index
    %get3A_30 = vector.load %arg6[%get3A_28, %get3A_29] : memref<1x32xf32, #tpu.memory_space<vmem>>, vector<1x32xf32>
    %add3A_31 = vector.broadcast %get3A_30 : vector<1x32xf32> to vector<4096x32xf32>
    %add3A_32 = arith.addf %dot_general3A_27, %add3A_31 : vector<4096x32xf32>
    %gt3A_33 = arith.constant 0.000000e+00 : f32
    %gt3A_34 = vector.broadcast %gt3A_33 : f32 to vector<4096x32xf32>
    %gt3A_35 = arith.cmpf ogt, %add3A_32, %gt3A_34 : vector<4096x32xf32>
    %min3A_36 = arith.constant 0.000000e+00 : f32
    %min3A_37 = vector.broadcast %min3A_36 : f32 to vector<4096x32xf32>
    %min3A_38 = arith.minimumf %add3A_32, %min3A_37 : vector<4096x32xf32>
    %exp3A_39 = math.exp %min3A_38 : vector<4096x32xf32>
    %sub3A_40 = arith.constant 1.000000e+00 : f32
    %sub3A_41 = vector.broadcast %sub3A_40 : f32 to vector<4096x32xf32>
    %sub3A_42 = arith.subf %exp3A_39, %sub3A_41 : vector<4096x32xf32>
    %select_n3A_43 = arith.select %gt3A_35, %add3A_32, %sub3A_42 : vector<4096x32xi1>, vector<4096x32xf32>
    %iota3A = tpu.iota {dimensions = array<i32: 0>} : vector<4096x8xi32>
    %jit3A = arith.constant 16 : i32
    %eq3A = arith.constant 0 : i32
    %eq3A_44 = arith.cmpi eq, %jit3A, %eq3A : i32
    %jit3A_45 = arith.constant 1 : i32
    %select_n3A_46 = arith.select %eq3A_44, %jit3A_45, %jit3A : i32
    %rem3A = vector.broadcast %select_n3A_46 : i32 to vector<4096x8xi32>
    %rem3A_47 = arith.remsi %iota3A, %rem3A : vector<4096x8xi32>
    %ne3A = arith.constant 0 : i32
    %ne3A_48 = vector.broadcast %ne3A : i32 to vector<4096x8xi32>
    %ne3A_49 = arith.cmpi ne, %rem3A_47, %ne3A_48 : vector<4096x8xi32>
    %lt3A = arith.constant 0 : i32
    %lt3A_50 = vector.broadcast %lt3A : i32 to vector<4096x8xi32>
    %lt3A_51 = arith.cmpi slt, %rem3A_47, %lt3A_50 : vector<4096x8xi32>
    %lt3A_52 = arith.constant 0 : i32
    %lt3A_53 = arith.cmpi slt, %select_n3A_46, %lt3A_52 : i32
    %ne3A_54 = vector.broadcast %lt3A_53 : i1 to vector<4096x8xi1>
    %ne3A_55 = vector.broadcast %ne3A_54 : vector<4096x8xi1> to vector<4096x8xi1>
    %ne3A_56 = arith.xori %lt3A_51, %ne3A_55 : vector<4096x8xi1>
    %and3A = arith.andi %ne3A_56, %ne3A_49 : vector<4096x8xi1>
    %add3A_57 = vector.broadcast %select_n3A_46 : i32 to vector<4096x8xi32>
    %add3A_58 = arith.addi %rem3A_47, %add3A_57 : vector<4096x8xi32>
    %select_n3A_59 = arith.select %and3A, %add3A_58, %rem3A_47 : vector<4096x8xi1>, vector<4096x8xi32>
    %eq3A_60 = arith.constant 0 : i32
    %eq3A_61 = vector.broadcast %eq3A_60 : i32 to vector<4096x8xi32>
    %eq3A_62 = arith.cmpi eq, %select_n3A_59, %eq3A_61 : vector<4096x8xi32>
    %jit3A_63 = arith.constant 0.000000e+00 : f32
    %broadcast_in_dim3A_64 = vector.broadcast %jit3A_63 : f32 to vector<4096x8xf32>
    %select_n3A_65 = arith.select %eq3A_62, %sub3A, %broadcast_in_dim3A_64 : vector<4096x8xi1>, vector<4096x8xf32>
    %eq3A_66 = arith.constant 1 : i32
    %eq3A_67 = vector.broadcast %eq3A_66 : i32 to vector<4096x8xi32>
    %eq3A_68 = arith.cmpi eq, %select_n3A_59, %eq3A_67 : vector<4096x8xi32>
    %jit3A_69 = arith.constant 0.000000e+00 : f32
    %broadcast_in_dim3A_70 = vector.broadcast %jit3A_69 : f32 to vector<4096x8xf32>
    %select_n3A_71 = arith.select %eq3A_68, %sub3A, %broadcast_in_dim3A_70 : vector<4096x8xi1>, vector<4096x8xf32>
    %eq3A_72 = arith.constant 2 : i32
    %eq3A_73 = vector.broadcast %eq3A_72 : i32 to vector<4096x8xi32>
    %eq3A_74 = arith.cmpi eq, %select_n3A_59, %eq3A_73 : vector<4096x8xi32>
    %jit3A_75 = arith.constant 0.000000e+00 : f32
    %broadcast_in_dim3A_76 = vector.broadcast %jit3A_75 : f32 to vector<4096x8xf32>
    %select_n3A_77 = arith.select %eq3A_74, %sub3A, %broadcast_in_dim3A_76 : vector<4096x8xi1>, vector<4096x8xf32>
    %eq3A_78 = arith.constant 3 : i32
    %eq3A_79 = vector.broadcast %eq3A_78 : i32 to vector<4096x8xi32>
    %eq3A_80 = arith.cmpi eq, %select_n3A_59, %eq3A_79 : vector<4096x8xi32>
    %jit3A_81 = arith.constant 0.000000e+00 : f32
    %broadcast_in_dim3A_82 = vector.broadcast %jit3A_81 : f32 to vector<4096x8xf32>
    %select_n3A_83 = arith.select %eq3A_80, %sub3A, %broadcast_in_dim3A_82 : vector<4096x8xi1>, vector<4096x8xf32>
    %eq3A_84 = arith.constant 4 : i32
    %eq3A_85 = vector.broadcast %eq3A_84 : i32 to vector<4096x8xi32>
    %eq3A_86 = arith.cmpi eq, %select_n3A_59, %eq3A_85 : vector<4096x8xi32>
    %jit3A_87 = arith.constant 0.000000e+00 : f32
    %broadcast_in_dim3A_88 = vector.broadcast %jit3A_87 : f32 to vector<4096x8xf32>
    %select_n3A_89 = arith.select %eq3A_86, %sub3A, %broadcast_in_dim3A_88 : vector<4096x8xi1>, vector<4096x8xf32>
    %eq3A_90 = arith.constant 5 : i32
    %eq3A_91 = vector.broadcast %eq3A_90 : i32 to vector<4096x8xi32>
    %eq3A_92 = arith.cmpi eq, %select_n3A_59, %eq3A_91 : vector<4096x8xi32>
    %jit3A_93 = arith.constant 0.000000e+00 : f32
    %broadcast_in_dim3A_94 = vector.broadcast %jit3A_93 : f32 to vector<4096x8xf32>
    %select_n3A_95 = arith.select %eq3A_92, %sub3A, %broadcast_in_dim3A_94 : vector<4096x8xi1>, vector<4096x8xf32>
    %eq3A_96 = arith.constant 6 : i32
    %eq3A_97 = vector.broadcast %eq3A_96 : i32 to vector<4096x8xi32>
    %eq3A_98 = arith.cmpi eq, %select_n3A_59, %eq3A_97 : vector<4096x8xi32>
    %jit3A_99 = arith.constant 0.000000e+00 : f32
    %broadcast_in_dim3A_100 = vector.broadcast %jit3A_99 : f32 to vector<4096x8xf32>
    %select_n3A_101 = arith.select %eq3A_98, %sub3A, %broadcast_in_dim3A_100 : vector<4096x8xi1>, vector<4096x8xf32>
    %eq3A_102 = arith.constant 7 : i32
    %eq3A_103 = vector.broadcast %eq3A_102 : i32 to vector<4096x8xi32>
    %eq3A_104 = arith.cmpi eq, %select_n3A_59, %eq3A_103 : vector<4096x8xi32>
    %jit3A_105 = arith.constant 0.000000e+00 : f32
    %broadcast_in_dim3A_106 = vector.broadcast %jit3A_105 : f32 to vector<4096x8xf32>
    %select_n3A_107 = arith.select %eq3A_104, %sub3A, %broadcast_in_dim3A_106 : vector<4096x8xi1>, vector<4096x8xf32>
    %eq3A_108 = arith.constant 8 : i32
    %eq3A_109 = vector.broadcast %eq3A_108 : i32 to vector<4096x8xi32>
    %eq3A_110 = arith.cmpi eq, %select_n3A_59, %eq3A_109 : vector<4096x8xi32>
    %jit3A_111 = arith.constant 0.000000e+00 : f32
    %broadcast_in_dim3A_112 = vector.broadcast %jit3A_111 : f32 to vector<4096x8xf32>
    %select_n3A_113 = arith.select %eq3A_110, %sub3A, %broadcast_in_dim3A_112 : vector<4096x8xi1>, vector<4096x8xf32>
    %eq3A_114 = arith.constant 9 : i32
    %eq3A_115 = vector.broadcast %eq3A_114 : i32 to vector<4096x8xi32>
    %eq3A_116 = arith.cmpi eq, %select_n3A_59, %eq3A_115 : vector<4096x8xi32>
    %jit3A_117 = arith.constant 0.000000e+00 : f32
    %broadcast_in_dim3A_118 = vector.broadcast %jit3A_117 : f32 to vector<4096x8xf32>
    %select_n3A_119 = arith.select %eq3A_116, %sub3A, %broadcast_in_dim3A_118 : vector<4096x8xi1>, vector<4096x8xf32>
    %eq3A_120 = arith.constant 10 : i32
    %eq3A_121 = vector.broadcast %eq3A_120 : i32 to vector<4096x8xi32>
    %eq3A_122 = arith.cmpi eq, %select_n3A_59, %eq3A_121 : vector<4096x8xi32>
    %jit3A_123 = arith.constant 0.000000e+00 : f32
    %broadcast_in_dim3A_124 = vector.broadcast %jit3A_123 : f32 to vector<4096x8xf32>
    %select_n3A_125 = arith.select %eq3A_122, %sub3A, %broadcast_in_dim3A_124 : vector<4096x8xi1>, vector<4096x8xf32>
    %eq3A_126 = arith.constant 11 : i32
    %eq3A_127 = vector.broadcast %eq3A_126 : i32 to vector<4096x8xi32>
    %eq3A_128 = arith.cmpi eq, %select_n3A_59, %eq3A_127 : vector<4096x8xi32>
    %jit3A_129 = arith.constant 0.000000e+00 : f32
    %broadcast_in_dim3A_130 = vector.broadcast %jit3A_129 : f32 to vector<4096x8xf32>
    %select_n3A_131 = arith.select %eq3A_128, %sub3A, %broadcast_in_dim3A_130 : vector<4096x8xi1>, vector<4096x8xf32>
    %eq3A_132 = arith.constant 12 : i32
    %eq3A_133 = vector.broadcast %eq3A_132 : i32 to vector<4096x8xi32>
    %eq3A_134 = arith.cmpi eq, %select_n3A_59, %eq3A_133 : vector<4096x8xi32>
    %jit3A_135 = arith.constant 0.000000e+00 : f32
    %broadcast_in_dim3A_136 = vector.broadcast %jit3A_135 : f32 to vector<4096x8xf32>
    %select_n3A_137 = arith.select %eq3A_134, %sub3A, %broadcast_in_dim3A_136 : vector<4096x8xi1>, vector<4096x8xf32>
    %eq3A_138 = arith.constant 13 : i32
    %eq3A_139 = vector.broadcast %eq3A_138 : i32 to vector<4096x8xi32>
    %eq3A_140 = arith.cmpi eq, %select_n3A_59, %eq3A_139 : vector<4096x8xi32>
    %jit3A_141 = arith.constant 0.000000e+00 : f32
    %broadcast_in_dim3A_142 = vector.broadcast %jit3A_141 : f32 to vector<4096x8xf32>
    %select_n3A_143 = arith.select %eq3A_140, %sub3A, %broadcast_in_dim3A_142 : vector<4096x8xi1>, vector<4096x8xf32>
    %eq3A_144 = arith.constant 14 : i32
    %eq3A_145 = vector.broadcast %eq3A_144 : i32 to vector<4096x8xi32>
    %eq3A_146 = arith.cmpi eq, %select_n3A_59, %eq3A_145 : vector<4096x8xi32>
    %jit3A_147 = arith.constant 0.000000e+00 : f32
    %broadcast_in_dim3A_148 = vector.broadcast %jit3A_147 : f32 to vector<4096x8xf32>
    %select_n3A_149 = arith.select %eq3A_146, %sub3A, %broadcast_in_dim3A_148 : vector<4096x8xi1>, vector<4096x8xf32>
    %eq3A_150 = arith.constant 15 : i32
    %eq3A_151 = vector.broadcast %eq3A_150 : i32 to vector<4096x8xi32>
    %eq3A_152 = arith.cmpi eq, %select_n3A_59, %eq3A_151 : vector<4096x8xi32>
    %jit3A_153 = arith.constant 0.000000e+00 : f32
    %broadcast_in_dim3A_154 = vector.broadcast %jit3A_153 : f32 to vector<4096x8xf32>
    %select_n3A_155 = arith.select %eq3A_152, %sub3A, %broadcast_in_dim3A_154 : vector<4096x8xi1>, vector<4096x8xf32>
    %concatenate3A = tpu.concatenate %select_n3A_65, %select_n3A_71, %select_n3A_77, %select_n3A_83, %select_n3A_89, %select_n3A_95, %select_n3A_101, %select_n3A_107, %select_n3A_113, %select_n3A_119, %select_n3A_125, %select_n3A_131, %select_n3A_137, %select_n3A_143, %select_n3A_149, %select_n3A_155 in 1 : vector<4096x8xf32>, vector<4096x8xf32>, vector<4096x8xf32>, vector<4096x8xf32>, vector<4096x8xf32>, vector<4096x8xf32>, vector<4096x8xf32>, vector<4096x8xf32>, vector<4096x8xf32>, vector<4096x8xf32>, vector<4096x8xf32>, vector<4096x8xf32>, vector<4096x8xf32>, vector<4096x8xf32>, vector<4096x8xf32>, vector<4096x8xf32> -> vector<4096x128xf32>
    %get3A_156 = arith.constant 0 : index
    %get3A_157 = arith.constant 0 : index
    %get3A_158 = vector.load %arg7[%get3A_156, %get3A_157] : memref<128x256xf32, #tpu.memory_space<vmem>>, vector<128x256xf32>
    %dot_general3A_159 = arith.constant dense<0.000000e+00> : vector<4096x256xf32>
    %dot_general3A_160 = tpu.matmul %concatenate3A, %get3A_158, %dot_general3A_159 {dimension_numbers = #tpu.dot_dimension_numbers<[1], [0], [0], [1], [0, 0, 1, 1], [], []>, transpose_lhs_hint = false} : vector<4096x128xf32>, vector<128x256xf32>, vector<4096x256xf32> -> vector<4096x256xf32>
    %reshape3A_161 = vector.shape_cast %dot_general3A_160 : vector<4096x256xf32> to vector<256x16x256xf32>
    %reduce_sum3A = arith.constant dense<0.000000e+00> : vector<256x256xf32>
    %reduce_sum3A_162 = vector.multi_reduction <add>, %reshape3A_161, %reduce_sum3A [1] : vector<256x16x256xf32> to vector<256x256xf32>
    %get3A_163 = arith.constant 0 : index
    %get3A_164 = arith.constant 0 : index
    %get3A_165 = vector.load %arg8[%get3A_163, %get3A_164] : memref<1x256xf32, #tpu.memory_space<vmem>>, vector<1x256xf32>
    %add3A_166 = vector.broadcast %get3A_165 : vector<1x256xf32> to vector<256x256xf32>
    %add3A_167 = arith.addf %reduce_sum3A_162, %add3A_166 : vector<256x256xf32>
    %gt3A_168 = arith.constant 0.000000e+00 : f32
    %gt3A_169 = vector.broadcast %gt3A_168 : f32 to vector<256x256xf32>
    %gt3A_170 = arith.cmpf ogt, %add3A_167, %gt3A_169 : vector<256x256xf32>
    %min3A_171 = arith.constant 0.000000e+00 : f32
    %min3A_172 = vector.broadcast %min3A_171 : f32 to vector<256x256xf32>
    %min3A_173 = arith.minimumf %add3A_167, %min3A_172 : vector<256x256xf32>
    %exp3A_174 = math.exp %min3A_173 : vector<256x256xf32>
    %sub3A_175 = arith.constant 1.000000e+00 : f32
    %sub3A_176 = vector.broadcast %sub3A_175 : f32 to vector<256x256xf32>
    %sub3A_177 = arith.subf %exp3A_174, %sub3A_176 : vector<256x256xf32>
    %select_n3A_178 = arith.select %gt3A_170, %add3A_167, %sub3A_177 : vector<256x256xi1>, vector<256x256xf32>
    %get3A_179 = arith.constant 0 : index
    %get3A_180 = arith.constant 0 : index
    %get3A_181 = vector.load %arg9[%get3A_179, %get3A_180] : memref<256x256xf32, #tpu.memory_space<vmem>>, vector<256x256xf32>
    %dot_general3A_182 = arith.constant dense<0.000000e+00> : vector<256x256xf32>
    %dot_general3A_183 = tpu.matmul %select_n3A_178, %get3A_181, %dot_general3A_182 {dimension_numbers = #tpu.dot_dimension_numbers<[1], [0], [0], [1], [0, 0, 1, 1], [], []>, transpose_lhs_hint = false} : vector<256x256xf32>, vector<256x256xf32>, vector<256x256xf32> -> vector<256x256xf32>
    %get3A_184 = arith.constant 0 : index
    %get3A_185 = arith.constant 0 : index
    %get3A_186 = vector.load %arg10[%get3A_184, %get3A_185] : memref<1x256xf32, #tpu.memory_space<vmem>>, vector<1x256xf32>
    %add3A_187 = vector.broadcast %get3A_186 : vector<1x256xf32> to vector<256x256xf32>
    %add3A_188 = arith.addf %dot_general3A_183, %add3A_187 : vector<256x256xf32>
    %gt3A_189 = arith.constant 0.000000e+00 : f32
    %gt3A_190 = vector.broadcast %gt3A_189 : f32 to vector<256x256xf32>
    %gt3A_191 = arith.cmpf ogt, %add3A_188, %gt3A_190 : vector<256x256xf32>
    %min3A_192 = arith.constant 0.000000e+00 : f32
    %min3A_193 = vector.broadcast %min3A_192 : f32 to vector<256x256xf32>
    %min3A_194 = arith.minimumf %add3A_188, %min3A_193 : vector<256x256xf32>
    %exp3A_195 = math.exp %min3A_194 : vector<256x256xf32>
    %sub3A_196 = arith.constant 1.000000e+00 : f32
    %sub3A_197 = vector.broadcast %sub3A_196 : f32 to vector<256x256xf32>
    %sub3A_198 = arith.subf %exp3A_195, %sub3A_197 : vector<256x256xf32>
    %select_n3A_199 = arith.select %gt3A_191, %add3A_188, %sub3A_198 : vector<256x256xi1>, vector<256x256xf32>
    %get3A_200 = arith.constant 0 : index
    %get3A_201 = arith.constant 0 : index
    %get3A_202 = vector.load %arg11[%get3A_200, %get3A_201] : memref<256x256xf32, #tpu.memory_space<vmem>>, vector<256x256xf32>
    %dot_general3A_203 = arith.constant dense<0.000000e+00> : vector<256x256xf32>
    %dot_general3A_204 = tpu.matmul %select_n3A_199, %get3A_202, %dot_general3A_203 {dimension_numbers = #tpu.dot_dimension_numbers<[1], [0], [0], [1], [0, 0, 1, 1], [], []>, transpose_lhs_hint = false} : vector<256x256xf32>, vector<256x256xf32>, vector<256x256xf32> -> vector<256x256xf32>
    %get3A_205 = arith.constant 0 : index
    %get3A_206 = arith.constant 0 : index
    %get3A_207 = vector.load %arg12[%get3A_205, %get3A_206] : memref<1x256xf32, #tpu.memory_space<vmem>>, vector<1x256xf32>
    %add3A_208 = vector.broadcast %get3A_207 : vector<1x256xf32> to vector<256x256xf32>
    %add3A_209 = arith.addf %dot_general3A_204, %add3A_208 : vector<256x256xf32>
    %broadcast_in_dim3A_210 = vector.shape_cast %add3A_209 : vector<256x256xf32> to vector<256x1x256xf32>
    %broadcast_in_dim3A_211 = vector.shape_cast %broadcast_in_dim3A_210 : vector<256x1x256xf32> to vector<256x1x256xf32>
    %broadcast_in_dim3A_212 = vector.broadcast %broadcast_in_dim3A_211 : vector<256x1x256xf32> to vector<256x16x256xf32>
    %reshape3A_213 = vector.shape_cast %broadcast_in_dim3A_212 : vector<256x16x256xf32> to vector<4096x256xf32>
    %iota3A_214 = tpu.iota {dimensions = array<i32: 1>} : vector<4096x256xi32>
    %iota3A_215 = tpu.iota {dimensions = array<i32: 0>} : vector<4096x256xi32>
    %jit3A_216 = arith.constant 16 : i32
    %div3A = vector.broadcast %jit3A_216 : i32 to vector<4096x256xi32>
    %div3A_217 = arith.divsi %iota3A_214, %div3A : vector<4096x256xi32>
    %sign3A = arith.constant 0 : i32
    %sign3A_218 = vector.broadcast %sign3A : i32 to vector<4096x256xi32>
    %sign3A_219 = arith.cmpi sgt, %iota3A_214, %sign3A_218 : vector<4096x256xi32>
    %sign3A_220 = arith.extui %sign3A_219 : vector<4096x256xi1> to vector<4096x256xi32>
    %sign3A_221 = arith.constant 0 : i32
    %sign3A_222 = vector.broadcast %sign3A_221 : i32 to vector<4096x256xi32>
    %sign3A_223 = arith.cmpi slt, %iota3A_214, %sign3A_222 : vector<4096x256xi32>
    %sign3A_224 = arith.extui %sign3A_223 : vector<4096x256xi1> to vector<4096x256xi32>
    %sign3A_225 = arith.subi %sign3A_220, %sign3A_224 : vector<4096x256xi32>
    %sign3A_226 = arith.constant 0 : i32
    %sign3A_227 = arith.cmpi sgt, %jit3A_216, %sign3A_226 : i32
    %sign3A_228 = arith.extui %sign3A_227 : i1 to i32
    %sign3A_229 = arith.constant 0 : i32
    %sign3A_230 = arith.cmpi slt, %jit3A_216, %sign3A_229 : i32
    %sign3A_231 = arith.extui %sign3A_230 : i1 to i32
    %sign3A_232 = arith.subi %sign3A_228, %sign3A_231 : i32
    %ne3A_233 = vector.broadcast %sign3A_232 : i32 to vector<4096x256xi32>
    %ne3A_234 = arith.cmpi ne, %sign3A_225, %ne3A_233 : vector<4096x256xi32>
    %rem3A_235 = vector.broadcast %jit3A_216 : i32 to vector<4096x256xi32>
    %rem3A_236 = arith.remsi %iota3A_214, %rem3A_235 : vector<4096x256xi32>
    %ne3A_237 = arith.constant 0 : i32
    %ne3A_238 = vector.broadcast %ne3A_237 : i32 to vector<4096x256xi32>
    %ne3A_239 = arith.cmpi ne, %rem3A_236, %ne3A_238 : vector<4096x256xi32>
    %and3A_240 = arith.andi %ne3A_234, %ne3A_239 : vector<4096x256xi1>
    %sub3A_241 = arith.constant 1 : i32
    %sub3A_242 = vector.broadcast %sub3A_241 : i32 to vector<4096x256xi32>
    %sub3A_243 = arith.subi %div3A_217, %sub3A_242 : vector<4096x256xi32>
    %select_n3A_244 = arith.select %and3A_240, %sub3A_243, %div3A_217 : vector<4096x256xi1>, vector<4096x256xi32>
    %jit3A_245 = arith.constant 16 : i32
    %eq3A_246 = arith.constant 0 : i32
    %eq3A_247 = arith.cmpi eq, %jit3A_245, %eq3A_246 : i32
    %jit3A_248 = arith.constant 1 : i32
    %select_n3A_249 = arith.select %eq3A_247, %jit3A_248, %jit3A_245 : i32
    %rem3A_250 = vector.broadcast %select_n3A_249 : i32 to vector<4096x256xi32>
    %rem3A_251 = arith.remsi %iota3A_215, %rem3A_250 : vector<4096x256xi32>
    %ne3A_252 = arith.constant 0 : i32
    %ne3A_253 = vector.broadcast %ne3A_252 : i32 to vector<4096x256xi32>
    %ne3A_254 = arith.cmpi ne, %rem3A_251, %ne3A_253 : vector<4096x256xi32>
    %lt3A_255 = arith.constant 0 : i32
    %lt3A_256 = vector.broadcast %lt3A_255 : i32 to vector<4096x256xi32>
    %lt3A_257 = arith.cmpi slt, %rem3A_251, %lt3A_256 : vector<4096x256xi32>
    %lt3A_258 = arith.constant 0 : i32
    %lt3A_259 = arith.cmpi slt, %select_n3A_249, %lt3A_258 : i32
    %ne3A_260 = vector.broadcast %lt3A_259 : i1 to vector<4096x256xi1>
    %ne3A_261 = vector.broadcast %ne3A_260 : vector<4096x256xi1> to vector<4096x256xi1>
    %ne3A_262 = arith.xori %lt3A_257, %ne3A_261 : vector<4096x256xi1>
    %and3A_263 = arith.andi %ne3A_262, %ne3A_254 : vector<4096x256xi1>
    %add3A_264 = vector.broadcast %select_n3A_249 : i32 to vector<4096x256xi32>
    %add3A_265 = arith.addi %rem3A_251, %add3A_264 : vector<4096x256xi32>
    %select_n3A_266 = arith.select %and3A_263, %add3A_265, %rem3A_251 : vector<4096x256xi1>, vector<4096x256xi32>
    %eq3A_267 = arith.cmpi eq, %select_n3A_244, %select_n3A_266 : vector<4096x256xi32>
    %jit3A_268 = arith.constant 0.000000e+00 : f32
    %broadcast_in_dim3A_269 = vector.broadcast %jit3A_268 : f32 to vector<4096x256xf32>
    %select_n3A_270 = arith.select %eq3A_267, %reshape3A_213, %broadcast_in_dim3A_269 : vector<4096x256xi1>, vector<4096x256xf32>
    %get3A_271 = arith.constant 0 : index
    %get3A_272 = arith.constant 0 : index
    %get3A_273 = vector.load %arg13[%get3A_271, %get3A_272] : memref<256x160xf32, #tpu.memory_space<vmem>>, vector<256x160xf32>
    %dot_general3A_274 = arith.constant dense<0.000000e+00> : vector<4096x160xf32>
    %dot_general3A_275 = tpu.matmul %select_n3A_270, %get3A_273, %dot_general3A_274 {dimension_numbers = #tpu.dot_dimension_numbers<[1], [0], [0], [1], [0, 0, 1, 1], [], []>, transpose_lhs_hint = false} : vector<4096x256xf32>, vector<256x160xf32>, vector<4096x160xf32> -> vector<4096x160xf32>
    %slice3A_276 = vector.extract_strided_slice %dot_general3A_275 {offsets = [0, 0], sizes = [4096, 32], strides = [1, 1]} : vector<4096x160xf32> to vector<4096x32xf32>
    %mul3A = arith.mulf %select_n3A_43, %slice3A_276 : vector<4096x32xf32>
    %slice3A_277 = vector.extract_strided_slice %dot_general3A_275 {offsets = [0, 32], sizes = [4096, 128], strides = [1, 1]} : vector<4096x160xf32> to vector<4096x128xf32>
    %mul3A_278 = arith.mulf %slice3A, %slice3A_277 : vector<4096x128xf32>
    %reshape3A_279 = vector.shape_cast %mul3A : vector<4096x32xf32> to vector<256x16x32xf32>
    %reduce_sum3A_280 = arith.constant dense<0.000000e+00> : vector<256x32xf32>
    %reduce_sum3A_281 = vector.multi_reduction <add>, %reshape3A_279, %reduce_sum3A_280 [1] : vector<256x16x32xf32> to vector<256x32xf32>
    %reshape3A_282 = vector.shape_cast %mul3A_278 : vector<4096x128xf32> to vector<256x16x128xf32>
    %reduce_sum3A_283 = arith.constant dense<0.000000e+00> : vector<256x128xf32>
    %reduce_sum3A_284 = vector.multi_reduction <add>, %reshape3A_282, %reduce_sum3A_283 [1] : vector<256x16x128xf32> to vector<256x128xf32>
    %get3A_285 = arith.constant 0 : index
    %get3A_286 = arith.constant 0 : index
    %get3A_287 = vector.load %arg14[%get3A_285, %get3A_286] : memref<1x160xf32, #tpu.memory_space<vmem>>, vector<1x160xf32>
    %get3A_288 = arith.constant 0 : index
    %get3A_289 = arith.constant 0 : index
    %get3A_290 = vector.load %arg15[%get3A_288, %get3A_289] : memref<160x128xf32, #tpu.memory_space<vmem>>, vector<160x128xf32>
    %dot_general3A_291 = arith.constant dense<0.000000e+00> : vector<1x128xf32>
    %dot_general3A_292 = tpu.matmul %get3A_287, %get3A_290, %dot_general3A_291 {dimension_numbers = #tpu.dot_dimension_numbers<[1], [0], [0], [1], [0, 0, 1, 1], [], []>, transpose_lhs_hint = false} : vector<1x160xf32>, vector<160x128xf32>, vector<1x128xf32> -> vector<1x128xf32>
    %get3A_293 = arith.constant 0 : index
    %get3A_294 = arith.constant 0 : index
    %get3A_295 = vector.load %arg16[%get3A_293, %get3A_294] : memref<1x128xf32, #tpu.memory_space<vmem>>, vector<1x128xf32>
    %add3A_296 = arith.addf %dot_general3A_292, %get3A_295 : vector<1x128xf32>
    %get3A_297 = arith.constant 0 : index
    %get3A_298 = arith.constant 0 : index
    %get3A_299 = vector.load %arg15[%get3A_297, %get3A_298] : memref<160x128xf32, #tpu.memory_space<vmem>>, vector<32x128xf32>
    %dot_general3A_300 = arith.constant dense<0.000000e+00> : vector<256x128xf32>
    %dot_general3A_301 = tpu.matmul %reduce_sum3A_281, %get3A_299, %dot_general3A_300 {dimension_numbers = #tpu.dot_dimension_numbers<[1], [0], [0], [1], [0, 0, 1, 1], [], []>, transpose_lhs_hint = false} : vector<256x32xf32>, vector<32x128xf32>, vector<256x128xf32> -> vector<256x128xf32>
    %get3A_302 = arith.constant 32 : index
    %get3A_303 = arith.constant 0 : index
    %get3A_304 = vector.load %arg15[%get3A_302, %get3A_303] : memref<160x128xf32, #tpu.memory_space<vmem>>, vector<128x128xf32>
    %dot_general3A_305 = arith.constant dense<0.000000e+00> : vector<256x128xf32>
    %dot_general3A_306 = tpu.matmul %reduce_sum3A_284, %get3A_304, %dot_general3A_305 {dimension_numbers = #tpu.dot_dimension_numbers<[1], [0], [0], [1], [0, 0, 1, 1], [], []>, transpose_lhs_hint = false} : vector<256x128xf32>, vector<128x128xf32>, vector<256x128xf32> -> vector<256x128xf32>
    %add3A_307 = arith.addf %dot_general3A_301, %dot_general3A_306 : vector<256x128xf32>
    %add3A_308 = vector.broadcast %add3A_296 : vector<1x128xf32> to vector<256x128xf32>
    %add3A_309 = arith.addf %add3A_307, %add3A_308 : vector<256x128xf32>
    %swap3A = arith.constant 0 : index
    %swap3A_310 = arith.constant 0 : index
    %swap3A_311 = vector.load %arg17[%swap3A, %swap3A_310] : memref<256x128xf32, #tpu.memory_space<vmem>>, vector<256x128xf32>
    tpu.vector_store %arg17[%swap3A, %swap3A_310], %add3A_309 {strides = array<i32>} : memref<256x128xf32, #tpu.memory_space<vmem>>, vector<256x128xf32>,
    return
  }
  func.func @transform_0(%arg0: i32) -> (i32, i32) {
    %c0_i32 = arith.constant 0 : i32
    %c0_i32_0 = arith.constant 0 : i32
    return %arg0, %c0_i32 : i32, i32
  }
  func.func @transform_1(%arg0: i32) -> (i32, i32) {
    %c0_i32 = arith.constant 0 : i32
    %c0_i32_0 = arith.constant 0 : i32
    return %arg0, %c0_i32 : i32, i32
  }
  func.func @transform_2(%arg0: i32) -> (i32, i32) {
    %c0_i32 = arith.constant 0 : i32
    %c0_i32_0 = arith.constant 0 : i32
    %c0_i32_1 = arith.constant 0 : i32
    return %c0_i32, %c0_i32_0 : i32, i32
  }
  func.func @transform_3(%arg0: i32) -> (i32, i32) {
    %c0_i32 = arith.constant 0 : i32
    %c0_i32_0 = arith.constant 0 : i32
    %c0_i32_1 = arith.constant 0 : i32
    return %c0_i32, %c0_i32_0 : i32, i32
  }
  func.func @transform_4(%arg0: i32) -> (i32, i32) {
    %c0_i32 = arith.constant 0 : i32
    %c0_i32_0 = arith.constant 0 : i32
    %c0_i32_1 = arith.constant 0 : i32
    return %c0_i32, %c0_i32_0 : i32, i32
  }
  func.func @transform_5(%arg0: i32) -> (i32, i32) {
    %c0_i32 = arith.constant 0 : i32
    %c0_i32_0 = arith.constant 0 : i32
    %c0_i32_1 = arith.constant 0 : i32
    return %c0_i32, %c0_i32_0 : i32, i32
  }
  func.func @transform_6(%arg0: i32) -> (i32, i32) {
    %c0_i32 = arith.constant 0 : i32
    %c0_i32_0 = arith.constant 0 : i32
    %c0_i32_1 = arith.constant 0 : i32
    return %c0_i32, %c0_i32_0 : i32, i32
  }
  func.func @transform_7(%arg0: i32) -> (i32, i32) {
    %c0_i32 = arith.constant 0 : i32
    %c0_i32_0 = arith.constant 0 : i32
    %c0_i32_1 = arith.constant 0 : i32
    return %c0_i32, %c0_i32_0 : i32, i32
  }
  func.func @transform_8(%arg0: i32) -> (i32, i32) {
    %c0_i32 = arith.constant 0 : i32
    %c0_i32_0 = arith.constant 0 : i32
    %c0_i32_1 = arith.constant 0 : i32
    return %c0_i32, %c0_i32_0 : i32, i32
  }
  func.func @transform_9(%arg0: i32) -> (i32, i32) {
    %c0_i32 = arith.constant 0 : i32
    %c0_i32_0 = arith.constant 0 : i32
    %c0_i32_1 = arith.constant 0 : i32
    return %c0_i32, %c0_i32_0 : i32, i32
  }
  func.func @transform_10(%arg0: i32) -> (i32, i32) {
    %c0_i32 = arith.constant 0 : i32
    %c0_i32_0 = arith.constant 0 : i32
    %c0_i32_1 = arith.constant 0 : i32
    return %c0_i32, %c0_i32_0 : i32, i32
  }
  func.func @transform_11(%arg0: i32) -> (i32, i32) {
    %c0_i32 = arith.constant 0 : i32
    %c0_i32_0 = arith.constant 0 : i32
    %c0_i32_1 = arith.constant 0 : i32
    return %c0_i32, %c0_i32_0 : i32, i32
  }
  func.func @transform_12(%arg0: i32) -> (i32, i32) {
    %c0_i32 = arith.constant 0 : i32
    %c0_i32_0 = arith.constant 0 : i32
    %c0_i32_1 = arith.constant 0 : i32
    return %c0_i32, %c0_i32_0 : i32, i32
  }
  func.func @transform_13(%arg0: i32) -> (i32, i32) {
    %c0_i32 = arith.constant 0 : i32
    %c0_i32_0 = arith.constant 0 : i32
    %c0_i32_1 = arith.constant 0 : i32
    return %c0_i32, %c0_i32_0 : i32, i32
  }
  func.func @transform_14(%arg0: i32) -> (i32, i32) {
    %c0_i32 = arith.constant 0 : i32
    %c0_i32_0 = arith.constant 0 : i32
    %c0_i32_1 = arith.constant 0 : i32
    return %c0_i32, %c0_i32_0 : i32, i32
  }
  func.func @transform_15(%arg0: i32) -> (i32, i32) {
    %c0_i32 = arith.constant 0 : i32
    %c0_i32_0 = arith.constant 0 : i32
    %c0_i32_1 = arith.constant 0 : i32
    return %c0_i32, %c0_i32_0 : i32, i32
  }
  func.func @transform_16(%arg0: i32) -> (i32, i32) {
    %c0_i32 = arith.constant 0 : i32
    %c0_i32_0 = arith.constant 0 : i32
    return %arg0, %c0_i32 : i32, i32
  }
}

</mosaic_0001>

<sc_bundles>
// kernel: kernel.6.cloned.1.call-start
scs
__scs_entry_jumppad:
0x0: {  	(pc) =	sbr.rel $0x88, $3  }
0x1: {  	(tag) =	ssettag $0x0;
	lr =	simm.s32 $0x1  }
0x2: {  	[smem:$0x3F91] =	sst lr;
	_ =	strace $0xD0000000  }
0x3: {  	_ = 	snop  }
0x4: {  	_ = 	snop  }
0x5: {  	_ = 	snop  }
0x6: {  	_ = 	snop  }
0x7: {  	_ = 	snop  }
__scs_overlays_trampoline_lowered:
0x8: {  	[smem:$0x3FA0] =	sst s0  }
0x9: {  	[smem:$0x3FA1] =	sst s1  }
0xa: {  	[smem:$0x3FA2] =	sst s2  }
0xb: {  	[smem:$0x3FA3] =	sst s3  }
0xc: {  	[smem:$0x3FA4] =	sst s4  }
0xd: {  	[smem:$0x3FA5] =	sst s5  }
0xe: {  	[smem:$0x3FA6] =	sst s6  }
0xf: {  	[smem:$0x3FA7] =	sst s7  }
0x10: {  	[smem:$0x3FA8] =	sst s8  }
0x11: {  	[smem:$0x3FA9] =	sst s9;
	s0 =	simm.s32 @!p0 $0x0  }
0x12: {  	s1 =	sld [smem:$0x3F8F];
	s0 =	simm.s32 @p0 $0x1  }
0x13: {  	[smem:$0x3FAA] =	sst s0;
	s0 =	simm.s32 @!p1 $0x0  }
0x14: {  	s2 =	sld [smem:$0x3F8E];
	s0 =	simm.s32 @p1 $0x1  }
0x15: {  	[smem:$0x3FAB] =	sst s0;
	s0 =	simm.s32 @!p2 $0x0  }
0x16: {  	s3 =	sld [smem:$0x3FDB];
	s0 =	simm.s32 @p2 $0x1  }
0x17: {  	s4 =	simm.s32 $0x1BF5;
	[smem:$0x3FAD] =	sst s0  }
0x18: {  	s0 =	sld [smem:$0x3F90];
	_ =	swait.ge [sflag:s4], $0x0  }
0x19: {  	s7 =	sld [smem:$0x3F91]  }
0x1a: {  	s8 =	sadd.s32 $0xFFFFE003, lr  }
0x1b: {  	s9 =	sadd.s32 $0xFFFFFEF7, lr;
	s5 =	simm.s32 $0xFFFFFFFF;
	p2 =	slt.u32 s8, $0xFFFFF086  }
0x1c: {  	p1 =	slt.u32 s9, $0xF7A;
	s5 =	simm.s32 @!p2 $0x0  }
0x1d: {  	s5 =	simm.s32 @p1 $0x1;
	p0 =	seq.s32 s7, s2  }
0x1e: {  	s7 =	smul.u32 @!p0 $0xF7A, s2;
	p2 =	seq.s32 @!p0 s5, $0x0  }
0x1f: {  	s9 =	smul.u32 $0xF7A, s1;
	s8 =	simm.s32 @!p0 $0x1BF5;
	p2 =	por !p2, p0  }
0x20: {  	[sflag:s8] =	ssyncset.s32 @!p0 $0xFFFFF086;
	s6 =	sadd.s32 @!p0 s3, s7;
	s7 =	simm.s32 @!p0 $0x108  }
0x21: {  	s3 =	sadd.s32 s3, s9;
	s6 =	sadd.s32 @!p0 $0x88, s6;
	s7 =	simm.s32 @p2 $0x1082  }
0x22: {  	[simem:s7], [sflag:s8] =	dma.local @!p0 [hbm:s6], $0xF7A  }
0x23: {  	s9 =	sor.u32 $0xD0000000, s2;
	s6 =	simm.s32 $0x108;
	_ =	swait.ge @!p0 [sflag:s8], $0x0  }
0x24: {  	s3 =	sadd.s32 $0x88, s3;
	s6 =	simm.s32 @!p1 $0x1082;
	[sflag:s4] =	ssyncset.s32 $0xFFFFF086  }
0x25: {  	[simem:s6], [sflag:s4] =	dma.local [hbm:s3], $0xF7A  }
0x26: {  	[smem:$0x3F91] =	sst s1;
	(tag) =	ssettag s2;
	_ =	strace s9  }
0x27: {  	s1 =	sld [smem:$0x3FA1]  }
0x28: {  	s2 =	sld [smem:$0x3FA2]  }
0x29: {  	s4 =	sld [smem:$0x3FA4]  }
0x2a: {  	p0 =	seq.s32 s5, $0x0;
	s5 =	sld [smem:$0x3FA5]  }
0x2b: {  	s6 =	sld [smem:$0x3FA6]  }
0x2c: {  	s7 =	sld [smem:$0x3FA7]  }
0x2d: {  	s3 =	simm.s32 $0x108;
	s8 =	sld [smem:$0x3FA8]  }
0x2e: {  	s3 =	simm.s32 @!p0 $0x1082;
	s9 =	sld [smem:$0x3FA9]  }
0x2f: {  	lr =	sadd.s32 s0, s3;
	s0 =	sld [smem:$0x3FA0]  }
0x30: {  	s3 =	sld [smem:$0x3FA3]  }
0x31: {  	[smem:$0x3FAC] =	sst s10  }
0x32: {  	s10 =	sld [smem:$0x3FAA];
	_ =	sdelay $0x3  }
0x33: {  	p0 =	seq.s32 s10, $0x1;
	s10 =	sld [smem:$0x3FAC];
	_ =	sdelay $0x3  }
0x34: {  	[smem:$0x3FAC] =	sst s10  }
0x35: {  	s10 =	sld [smem:$0x3FAB];
	_ =	sdelay $0x3  }
0x36: {  	p1 =	seq.s32 s10, $0x1;
	s10 =	sld [smem:$0x3FAC];
	_ =	sdelay $0x3  }
0x37: {  	[smem:$0x3FAC] =	sst s10  }
0x38: {  	s10 =	sld [smem:$0x3FAD]  }
0x39: {  	_ = 	snop;
	(pc) =	sbr.ind lr, $3  }
0x3a: {  	_ = 	snop  }
0x3b: {  	_ = 	snop  }
0x3c: {  	p2 =	seq.s32 s10, $0x1;
	s10 =	sld [smem:$0x3FAC]  }
0x3d: {  	_ =	shalt  }
0x3e: {  	_ =	shalt  }
0x3f: {  	_ =	shalt  }
0x40: {  	_ =	shalt  }
0x41: {  	_ =	shalt  }
0x42: {  	_ =	shalt  }
0x43: {  	_ =	shalt  }
0x44: {  	_ =	shalt  }
0x45: {  	_ =	shalt  }
0x46: {  	_ =	shalt  }
0x47: {  	_ =	shalt  }
0x48: {  	_ =	shalt  }
0x49: {  	_ =	shalt  }
0x4a: {  	_ =	shalt  }
0x4b: {  	_ =	shalt  }
0x4c: {  	_ =	shalt  }
0x4d: {  	_ =	shalt  }
0x4e: {  	_ =	shalt  }
0x4f: {  	_ =	shalt  }
0x50: {  	_ =	shalt  }
0x51: {  	_ =	shalt  }
0x52: {  	_ =	shalt  }
0x53: {  	_ =	shalt  }
0x54: {  	_ =	shalt  }
0x55: {  	_ =	shalt  }
0x56: {  	_ =	shalt  }
0x57: {  	_ =	shalt  }
0x58: {  	_ =	shalt  }
0x59: {  	_ =	shalt  }
0x5a: {  	_ =	shalt  }
0x5b: {  	_ =	shalt  }
0x5c: {  	_ =	shalt  }
0x5d: {  	_ =	shalt  }
0x5e: {  	_ =	shalt  }
0x5f: {  	_ =	shalt  }
0x60: {  	_ =	shalt  }
0x61: {  	_ =	shalt  }
0x62: {  	_ =	shalt  }
0x63: {  	_ =	shalt  }
0x64: {  	_ =	shalt  }
0x65: {  	_ =	shalt  }
0x66: {  	_ =	shalt  }
0x67: {  	_ =	shalt  }
0x68: {  	_ =	shalt  }
0x69: {  	_ =	shalt  }
0x6a: {  	_ =	shalt  }
0x6b: {  	_ =	shalt  }
0x6c: {  	_ =	shalt  }
0x6d: {  	_ =	shalt  }
0x6e: {  	_ =	shalt  }
0x6f: {  	_ =	shalt  }
0x70: {  	_ =	shalt  }
0x71: {  	_ =	shalt  }
0x72: {  	_ =	shalt  }
0x73: {  	_ =	shalt  }
0x74: {  	_ =	shalt  }
0x75: {  	_ =	shalt  }
0x76: {  	_ =	shalt  }
0x77: {  	_ =	shalt  }
0x78: {  	_ =	shalt  }
0x79: {  	_ =	shalt  }
0x7a: {  	_ =	shalt  }
0x7b: {  	_ =	shalt  }
0x7c: {  	_ =	shalt  }
0x7d: {  	_ =	shalt  }
0x7e: {  	_ =	shalt  }
0x7f: {  	_ =	shalt  }
0x80: {  	_ =	shalt  }
0x81: {  	_ =	shalt  }
0x82: {  	_ =	shalt  }
0x83: {  	_ =	shalt  }
0x84: {  	_ =	shalt  }
0x85: {  	_ =	shalt  }
0x86: {  	_ =	shalt  }
0x87: {  	_ =	shalt  }
.Lfunc_end0:
.L_simem_size_0:
called_computation_lowered:
.L_overlay_start_0:
0x88: {  	s2 =	sld [smem:$0x3FD9]  }
0x89: {  	s3 =	sld [smem:$0x3FFE];
	_ =	sdelay $0x1  }
0x8a: {  	s1 =	srdreg.scid  }
0x8b: {  	s0 =	sand.u32 $0x1, s1  }
0x8c: {  	s14 =	sshll.u32 s0, $0xA;
	s2 =	sadd.s32 s3, s2  }
0x8d: {  	s2 =	sadd.s32 s2, s14  }
0x8e: {  	[smem:$0x3FB8] =	sst s2  }
0x8f: {  	_ = 	snop  }
0x90: {  	s2 =	sld [smem:$0x3FD0];
	_ =	sdelay $0x2  }
0x91: {  	s15 =	simm.s32 $0xA;
	s4 =	simm.s32 $0x10  }
0x92: {  	[smem:s4], [sflag:s15] =	dma.local [hbm:s2], $0x1  }
0x93: {  	_ =	swait.eq [sflag:s15], $0x1  }
0x94: {  	[sflag:s15] =	ssyncset.done $0x0  }
0x95: {  	[sflag:s15] =	ssyncadd.s32 $0xFFFFFFFF  }
0x96: {  	s16 =	sld [smem:$0x10];
	(tm) =	ssettm $0x1  }
0x97: {  	s17 =	sld [smem:$0x3FFB];
	_ =	sdelay $0x3  }
0x98: {  	_ =	strace s17  }
0x99: {  	s3 =	sld [smem:$0x3FFC];
	_ =	sdelay $0x3  }
0x9a: {  	_ =	strace s3  }
0x9b: {  	s3 =	sld [smem:$0x3FFD];
	_ =	sdelay $0x3  }
0x9c: {  	_ =	strace s3  }
0x9d: {  	_ =	strace $0x8FFFFFFF  }
0x9e: {  	s18 =	sld [smem:$0x3FDB];
	_ =	sdelay $0x1  }
0x9f: {  	s19 =	simm.s32 $_scs_section_size  }
0xa0: {  	s5 =	simm.s32 $_size__tile_overlayer_lowered;
	s6 =	simm.s32 $_tile_overlayer_lowered  }
0xa1: {  	s22 =	simm.s32 $0x1BFF;
	s21 =	sshll.u32 s6, $0x1;
	s3 =	sadd.s32 s19, s18  }
0xa2: {  	s7 =	simm.s32 $0x0;
	s20 =	sshll.u32 s5, $0x1;
	s5 =	sadd.s32 s21, s3  }
0xa3: {  	[timem:s7], [sflag:s22] =	dma.local [hbm:s5], s20  }
0xa4: {  	_ =	swait.ge [sflag:s22], s20  }
0xa5: {  	s4 =	ssub.s32 $0x0, s20;
	[sflag:s22] =	ssyncset.done $0x0  }
0xa6: {  	[sflag:s22] =	ssyncadd.s32 s4;
	_ =	sdelay $0x1  }
0xa7: {  	s23 =	simm.s32 $0x1B8B  }
0xa8: {  	_ =	swait.ge [sflag:s23], $0x1  }
0xa9: {  	[sflag:s23] =	ssyncset.done $0x0  }
0xaa: {  	s25 =	simm.s32 $0x1B8E;
	s24 =	sld [smem:$0x3FFE];
	[sflag:s23] =	ssyncadd.s32 $0xFFFFFFFF  }
0xab: {  	s26 =	simm.s32 $execute0_lowered;
	[smem:$0x3FD2] =	sst s25  }
0xac: {  	s5 =	sshll.u32 s26, $0x1;
	_ =	strace $0x80000046;
	[dreg:$0x1] =	wrdreg $0xFFFFFFFF  }
0xad: {  	s28 =	simm.s32 $_size_execute0_lowered;
	s3 =	sadd.s32 s3, s5;
	[dreg:$0x0] =	wrdreg $0x0  }
0xae: {  	s5 =	sshll.u32 s28, $0x1;
	[dreg:$0x2] =	wrdreg s3  }
0xaf: {  	[dreg:$0x3] =	wrdreg s5  }
0xb0: {  	[dreg:$0x4] =	wrdreg $0xC0  }
0xb1: {  	_ =	task [dreg:s7], $0x5FFFF  }
0xb2: {  	[dreg:$0x1] =	wrdreg $0xFFFFFFFF  }
0xb3: {  	[dreg:$0x0] =	wrdreg $0x60  }
0xb4: {  	[dreg:$0x2] =	wrdreg s24  }
0xb5: {  	[dreg:$0x3] =	wrdreg s16  }
0xb6: {  	[dreg:$0x4] =	wrdreg $0x9  }
0xb7: {  	_ =	task.clear_ibuf [dreg:s7], $0x5FFFF;
	_ =	strace $0x90000046  }
0xb8: {  	s29 =	simm.s32 $0x9;
	_ =	strace $0x80000048  }
0xb9: {  	_ =	swait.ge [sflag:s29], $0x1  }
0xba: {  	[sflag:s29] =	ssyncadd.s32 $0xFFFFFFFF  }
0xbb: {  	_ =	strace $0x90000048  }
0xbc: {  	_ =	sfence  }
0xbd: {  	s30 =	sld [smem:$0x0];
	_ =	sdelay $0x2  }
0xbe: {  	s31 =	sshll.u32 s1, $0xD;
	s1 =	sshrl.u32 s1, $0x2  }
0xbf: {  	s3 =	sand.u32 $0x4000, s31;
	s1 =	sadd.s32 s1, s30  }
0xc0: {  	s0 =	sor.u32 s3, s0;
	s1 =	sshll.u32 s1, $0x11  }
0xc1: {  	s0 =	sor.u32 s1, s0  }
0xc2: {  	s0 =	sadd.s32 $0x8F2B, s0  }
0xc3: {  	[sflag:s0] =	ssyncadd.remote.s32 $0x1  }
0xc4: {  	_ =	sfence.sel $0xFFFF  }
0xc5: {  	[dreg:$0x0] =	wrdreg $0xFFFFFFFF;
	(pc) =	sbr.abs _section_cstart, $3  }
0xc6: {  	[dreg:$0x1] =	wrdreg $0xFFFFFFFF  }
0xc7: {  	_ =	task.clear_ibuf [dreg:s7], $0x2FFFF;
	_ =	strace $0x9FFFFFFF  }
0xc8: {  	(tm) =	ssettm $0x7FFFFFFF  }
0xc9: {  	_ =	shalt  }
tec
execute0_lowered:
.L_overlay_start_1:
0x0: {  	(tag) =	ssettag $0x1  }
0x1: {  	s4 =	rddreg [dreg:$0x0]  }
0x2: {  	s7 =	rddreg [dreg:$0x1]  }
0x3: {  	s0 =	rddreg [dreg:$0x2];
	s1 =	simm.s32 $0x0  }
0x4: {  	s5 =	srdreg.scid;
	s2 =	stileid.u32;
	s12 =	simm.s32 $0x1  }
0x5: {  	s13 =	simm.s32 $0x2;
	s14 =	simm.s32 $0x0;
	[smem:$0x7FF] =	sst s1  }
0x6: {  	s3 =	sadd.s32 $0x2400, s4;
	s5 =	sand.u32 $0x1, s5;
	s8 =	sshll.u32 s2, $0xD  }
0x7: {  	s10 =	smul.u32 $0x24000, s2;
	_ =	strace $0x80000047;
	s6 =	ssub.s32 $0x2, s5  }
0x8: {  	s9 =	sshll.u32 s5, $0xC;
	s29 =	smul.u32 $0x12000, s5;
	s11 =	sshrl.u32 s6, $0x1  }
0x9: {  	s8 =	sor.u32 s9, s8;
	s10 =	sadd.s32 s10, s4;
	s6 =	ssub.s32 s6, s11  }
0xa: {  	s9 =	sor.u32 $0x80, s8;
	s31 =	sadd.s32 s29, s10;
	s8 =	sshrl.u32 s8, $0x3  }
0xb: {  	s10 =	simm.s32 $0x100;
	s11 =	simm.s32 $0x4900;
	s4 =	smax.u32 s6, $0x1  }
0xc: {  	s30 =	sshrl.u32 s9, $0x3;
	s6 =	sadd.s32 $0x4AD00, s31;
	s9 =	simm.s32 $0x80  }
0xd: {  	s5 =	sadd.s32 s30, s7;
	s7 =	sadd.s32 s8, s7;
	s8 =	simm.s32 $0x3  }
.LBB2_1:
0xe: {  	s15 =	sadd.s32 $0x0, s7  }
0xf: {  	[tilespmem:s1], [sflag:$0x3] =	stream.linear.gather [hbm4b:s15+s1], $0x80, $0x38;
	[tilespmem:$0x9100] =	vst v63  }
0x10: {  	_ =	swait.ge [sflag:s8], $0x80  }
0x11: {  	[sflag:s8] =	ssyncset.done $0x0  }
0x12: {  	s30 =	sadd.s32 $0x0, s5;
	[sflag:s8] =	ssyncadd.s32 $0xFFFFFF80  }
0x13: {  	[tilespmem:s9], [sflag:$0x3] =	stream.linear.gather [hbm4b:s30+s1], $0x80, $0x38;
	[tilespmem:$0x9100] =	vst v63  }
0x14: {  	_ =	swait.ge [sflag:s8], $0x80  }
0x15: {  	[sflag:s8] =	ssyncset.done $0x0  }
0x16: {  	[sflag:s8] =	ssyncadd.s32 $0xFFFFFF80  }
0x17: {  	[tilespmem:s10], [sflag:$0x1] =	stream.indirect.gather [hbm4b:s3+s9], $0x90, s1, s9, $0xb8;
	[tilespmem:$0x9100] =	vst v63  }
0x18: {  	_ = 	snop  }
0x19: {  	[tilespmem:s11], [sflag:$0x2] =	stream.indirect.gather [hbm4b:s3+s9], $0x90, s9, s9, $0xb8;
	[tilespmem:$0x9100] =	vst v63  }
0x1a: {  	_ =	swait.ge [sflag:s12], $0x4800  }
0x1b: {  	[sflag:s12] =	ssyncset.done $0x0  }
0x1c: {  	s31 =	sadd.s32 $0xFFFFF700, s6;
	[sflag:s12] =	ssyncadd.s32 $0xFFFFB800  }
0x1d: {  	[hbm4b:s31+s1] =	stream.linear.scatter [tilespmem:s10], [sflag:$0x3], $0x4800, $0x38;
	[tilespmem:$0x9100] =	vst v63  }
0x1e: {  	_ =	swait.ge [sflag:s8], $0x4800  }
0x1f: {  	[sflag:s8] =	ssyncset.done $0x0  }
0x20: {  	[sflag:s8] =	ssyncadd.s32 $0xFFFFB800  }
0x21: {  	_ =	swait.ge [sflag:s13], $0x4800  }
0x22: {  	[sflag:s13] =	ssyncset.done $0x0  }
0x23: {  	[sflag:s13] =	ssyncadd.s32 $0xFFFFB800  }
0x24: {  	[hbm4b:s6+s1] =	stream.linear.scatter [tilespmem:s11], [sflag:$0x3], $0x4800, $0x38;
	[tilespmem:$0x9100] =	vst v63  }
0x25: {  	s16 =	simm.s32 $0x20;
	_ =	swait.ge [sflag:s8], $0x4800  }
0x26: {  	s17 =	simm.s32 $0x40;
	s15 =	sadd.s32 $0x1200, s6;
	[sflag:s8] =	ssyncset.done $0x0  }
.LBB2_2:
0x27: {  	s18 =	sadd.s32 s16, s7  }
0x28: {  	[sflag:s8] =	ssyncadd.s32 $0xFFFFB800;
	s19 =	smov.u32 s17;
	s20 =	sadd.s32 $0x20, s17  }
0x29: {  	[tilespmem:s1], [sflag:$0x3] =	stream.linear.gather [hbm4b:s18+s1], $0x80, $0x38;
	[tilespmem:$0x9100] =	vst v63  }
0x2a: {  	p0 =	sne.s32 s17, $0x1E0;
	_ =	swait.ge [sflag:s8], $0x80  }
0x2b: {  	[sflag:s8] =	ssyncset.done $0x0  }
0x2c: {  	s17 =	sadd.s32 s16, s5;
	s16 =	smov.u32 s19;
	[sflag:s8] =	ssyncadd.s32 $0xFFFFFF80  }
0x2d: {  	[tilespmem:s9], [sflag:$0x3] =	stream.linear.gather [hbm4b:s17+s1], $0x80, $0x38;
	[tilespmem:$0x9100] =	vst v63  }
0x2e: {  	_ =	swait.ge [sflag:s8], $0x80  }
0x2f: {  	[sflag:s8] =	ssyncset.done $0x0  }
0x30: {  	[sflag:s8] =	ssyncadd.s32 $0xFFFFFF80  }
0x31: {  	[tilespmem:s10], [sflag:$0x1] =	stream.indirect.gather [hbm4b:s3+s9], $0x90, s1, s9, $0xb8;
	[tilespmem:$0x9100] =	vst v63  }
0x32: {  	_ = 	snop  }
0x33: {  	[tilespmem:s11], [sflag:$0x2] =	stream.indirect.gather [hbm4b:s3+s9], $0x90, s9, s9, $0xb8;
	[tilespmem:$0x9100] =	vst v63  }
0x34: {  	_ =	swait.ge [sflag:s12], $0x4800  }
0x35: {  	[sflag:s12] =	ssyncset.done $0x0  }
0x36: {  	s17 =	sadd.s32 $0xFFFFF700, s15;
	[sflag:s12] =	ssyncadd.s32 $0xFFFFB800  }
0x37: {  	[hbm4b:s17+s1] =	stream.linear.scatter [tilespmem:s10], [sflag:$0x3], $0x4800, $0x38;
	[tilespmem:$0x9100] =	vst v63  }
0x38: {  	_ =	swait.ge [sflag:s8], $0x4800  }
0x39: {  	[sflag:s8] =	ssyncset.done $0x0  }
0x3a: {  	[sflag:s8] =	ssyncadd.s32 $0xFFFFB800  }
0x3b: {  	_ =	swait.ge [sflag:s13], $0x4800  }
.Ltmp0:
0x3c: {  	[sflag:s13] =	ssyncset.done $0x0;
	(pc) =	sbr.rel @p0 .LBB2_2-.Ltmp0, $4  }
0x3d: {  	[sflag:s13] =	ssyncadd.s32 $0xFFFFB800  }
0x3e: {  	[hbm4b:s15+s1] =	stream.linear.scatter [tilespmem:s11], [sflag:$0x3], $0x4800, $0x38;
	[tilespmem:$0x9100] =	vst v63  }
0x3f: {  	_ =	swait.ge [sflag:s8], $0x4800  }
0x40: {  	s17 =	smov.u32 s20;
	s15 =	sadd.s32 $0x1200, s15;
	[sflag:s8] =	ssyncset.done $0x0  }
0x41: {  	s17 =	sadd.s32 s16, s7;
	[sflag:s8] =	ssyncadd.s32 $0xFFFFB800  }
0x42: {  	[tilespmem:s1], [sflag:$0x3] =	stream.linear.gather [hbm4b:s17+s1], $0x80, $0x38;
	[tilespmem:$0x9100] =	vst v63  }
0x43: {  	_ =	swait.ge [sflag:s8], $0x80  }
0x44: {  	[sflag:s8] =	ssyncset.done $0x0  }
0x45: {  	s30 =	sadd.s32 s16, s5;
	[sflag:s8] =	ssyncadd.s32 $0xFFFFFF80  }
0x46: {  	[tilespmem:s9], [sflag:$0x3] =	stream.linear.gather [hbm4b:s30+s1], $0x80, $0x38;
	[tilespmem:$0x9100] =	vst v63  }
0x47: {  	_ =	swait.ge [sflag:s8], $0x80  }
0x48: {  	[sflag:s8] =	ssyncset.done $0x0  }
0x49: {  	[sflag:s8] =	ssyncadd.s32 $0xFFFFFF80  }
0x4a: {  	[tilespmem:s10], [sflag:$0x1] =	stream.indirect.gather [hbm4b:s3+s9], $0x90, s1, s9, $0xb8;
	[tilespmem:$0x9100] =	vst v63  }
0x4b: {  	_ = 	snop  }
0x4c: {  	[tilespmem:s11], [sflag:$0x2] =	stream.indirect.gather [hbm4b:s3+s9], $0x90, s9, s9, $0xb8;
	[tilespmem:$0x9100] =	vst v63  }
0x4d: {  	_ =	swait.ge [sflag:s12], $0x4800  }
0x4e: {  	[sflag:s12] =	ssyncset.done $0x0  }
0x4f: {  	s31 =	sadd.s32 $0xFFFFF700, s15;
	[sflag:s12] =	ssyncadd.s32 $0xFFFFB800  }
0x50: {  	[hbm4b:s31+s1] =	stream.linear.scatter [tilespmem:s10], [sflag:$0x3], $0x4800, $0x38;
	[tilespmem:$0x9100] =	vst v63  }
0x51: {  	_ =	swait.ge [sflag:s8], $0x4800  }
0x52: {  	[sflag:s8] =	ssyncset.done $0x0  }
0x53: {  	[sflag:s8] =	ssyncadd.s32 $0xFFFFB800  }
0x54: {  	s14 =	sadd.s32 $0x1, s14;
	_ =	swait.ge [sflag:s13], $0x4800  }
0x55: {  	p0 =	sne.s32 s14, s4;
	[sflag:s13] =	ssyncset.done $0x0  }
.Ltmp1:
0x56: {  	[sflag:s13] =	ssyncadd.s32 $0xFFFFB800;
	(pc) =	sbr.rel @p0 .LBB2_1-.Ltmp1, $4  }
0x57: {  	[hbm4b:s15+s1] =	stream.linear.scatter [tilespmem:s11], [sflag:$0x3], $0x4800, $0x38;
	[tilespmem:$0x9100] =	vst v63  }
0x58: {  	_ =	swait.ge [sflag:s8], $0x4800  }
0x59: {  	[sflag:s8] =	ssyncset.done $0x0  }
0x5a: {  	[sflag:s8] =	ssyncadd.s32 $0xFFFFB800  }
0x5b: {  	_ =	sfence.sel $0x180000  }
0x5c: {  	[bflag:$0x0] =	sbarrier.arrive $0xFFFF  }
0x5d: {  	p0 =	sne.s32 s2, $0x0;
	_ =	strace $0x90000047  }
0x5e: {  	s0 =	sadd.s32 @!p0 $0x100000, s0;
	[bflag:$0x2] =	sbarrier.arrive $0xFFFF  }
0x5f: {  	[sflag:s0] =	ssyncadd.tile.s32 @!p0 $0x1;
	_ =	shalt  }
.Lfunc_end2:
_tile_overlayer_lowered:
.L_overlay_start_2:
0x60: {  	(tag) =	ssettag $0x2  }
0x61: {  	s0 =	rddreg [dreg:$0x0];
	s2 =	stileid.u32  }
0x62: {  	s1 =	rddreg [dreg:$0x1];
	p0 =	sne.s32 s2, $0x0  }
0x63: {  	s3 =	rddreg [dreg:$0x2];
	[bflag:$0x3] =	sbarrier.arrive $0xFFFF;
	s2 =	simm.s32 @!p0 $0x1C03  }
0x64: {  	[timem:s3], [sflag:s2] =	dma.local @!p0 [hbm:s0], s1  }
0x65: {  	s0 =	simm.s32 @!p0 $0x3  }
0x66: {  	_ =	swait.ge @!p0 [sflag:s0], s1  }
0x67: {  	s1 =	ssub.s32 @!p0 $0x0, s1;
	[sflag:s0] =	ssyncset.done @!p0 $0x0  }
0x68: {  	[sflag:s0] =	ssyncadd.s32 @!p0 s1  }
0x69: {  	[bflag:$0x3] =	sbarrier.arrive $0xFFFF  }
0x6a: {  	_ =	shalt  }

</sc_bundles>
